<compile_context>
chip_gen: v7x
topology: tpu7x:2x2x1
jax: 0.10.2.dev20260603
libtpu: 0.0.44.dev20260713+nightly
codegen_flags: <defaults>
</compile_context>

<pallas_src>
import jax
import jax.numpy as jnp
from jax import lax
from jax.experimental import pallas as pl
from jax.experimental.pallas import tpu as pltpu
from jax.experimental.pallas import tpu_sc as plsc

D = 128
NB = 320000
NC = 2
NS = 16
NW = NC * NS
BPW = NB // NW
E = 200
NCHUNK = BPW // E


def _sc_body(xsrc_hbm, xdst_hbm, row_hbm, col_hbm, out_hbm,
             ridx, cidx, sv0, sv1, dv0, dv1, ov0, ov1,
             ss0, ss1, sd0, sd1, so0, so1):
    sv = (sv0, sv1)
    dv = (dv0, dv1)
    ov = (ov0, ov1)
    ss = (ss0, ss1)
    sd = (sd0, sd1)
    so = (so0, so1)
    wid = lax.axis_index("s") * NC + lax.axis_index("c")
    base = wid * BPW
    lanes = lax.iota(jnp.int32, 16)
    last_lane = lanes == 15
    pltpu.sync_copy(row_hbm.at[pl.ds(base, BPW)], ridx)
    pltpu.sync_copy(col_hbm.at[pl.ds(base, BPW)], cidx)
    pltpu.async_copy(xsrc_hbm.at[ridx.at[pl.ds(0, E)]], sv[0], ss[0])
    pltpu.async_copy(xdst_hbm.at[cidx.at[pl.ds(0, E)]], dv[0], sd[0])

    @pl.loop(0, NCHUNK, step=2)
    def pair(c0):
        for b in range(2):
            c = c0 + b
            nxt = c + 1

            @pl.when(nxt < NCHUNK)
            def _():
                off = nxt * E
                pltpu.async_copy(
                    xsrc_hbm.at[ridx.at[pl.ds(off, E)]], sv[1 - b], ss[1 - b])
                pltpu.async_copy(
                    xdst_hbm.at[cidx.at[pl.ds(off, E)]], dv[1 - b], sd[1 - b])

            pltpu.make_async_copy(
                xsrc_hbm.at[ridx.at[pl.ds(0, E)]], sv[b], ss[b]).wait()
            pltpu.make_async_copy(
                xdst_hbm.at[cidx.at[pl.ds(0, E)]], dv[b], sd[b]).wait()

            @pl.when(c >= 2)
            def _():
                pltpu.make_async_copy(
                    ov[b], out_hbm.at[pl.ds(0, E)], so[b]).wait()

            @pl.loop(0, E, unroll=2)
            def edge(e):
                acc0 = jnp.zeros((16,), jnp.float32)
                acc1 = jnp.zeros((16,), jnp.float32)
                for u in range(0, 8, 2):
                    acc0 = acc0 + (sv[b][e, pl.ds(16 * u, 16)]
                                   * dv[b][e, pl.ds(16 * u, 16)])
                    acc1 = acc1 + (sv[b][e, pl.ds(16 * (u + 1), 16)]
                                   * dv[b][e, pl.ds(16 * (u + 1), 16)])
                cum = jnp.cumsum(acc0 + acc1)
                evec = jnp.full((16,), e, jnp.int32)
                plsc.store_scatter(ov[b], [evec], cum, mask=last_lane)

            pltpu.async_copy(ov[b], out_hbm.at[pl.ds(base + c * E, E)], so[b])

    pltpu.make_async_copy(ov[0], out_hbm.at[pl.ds(0, E)], so[0]).wait()
    pltpu.make_async_copy(ov[1], out_hbm.at[pl.ds(0, E)], so[1]).wait()


@jax.jit
def _scores(x_src, x_dst, row, col):
    mesh = plsc.VectorSubcoreMesh(core_axis_name="c", subcore_axis_name="s")
    return pl.kernel(
        _sc_body,
        out_type=jax.ShapeDtypeStruct((NB,), jnp.float32),
        mesh=mesh,
        scratch_types=[
            pltpu.VMEM((BPW,), jnp.int32),
            pltpu.VMEM((BPW,), jnp.int32),
            pltpu.VMEM((E, D), jnp.float32),
            pltpu.VMEM((E, D), jnp.float32),
            pltpu.VMEM((E, D), jnp.float32),
            pltpu.VMEM((E, D), jnp.float32),
            pltpu.VMEM((E,), jnp.float32),
            pltpu.VMEM((E,), jnp.float32),
            pltpu.SemaphoreType.DMA,
            pltpu.SemaphoreType.DMA,
            pltpu.SemaphoreType.DMA,
            pltpu.SemaphoreType.DMA,
            pltpu.SemaphoreType.DMA,
            pltpu.SemaphoreType.DMA,
        ],
        compiler_params=pltpu.CompilerParams(needs_layout_passes=False),
    )(x_src, x_dst, row, col)


def kernel(x_src, x_dst, edge_label_index):
    row = edge_label_index[0].astype(jnp.int32)
    col = edge_label_index[1].astype(jnp.int32)
    return _scores(x_src, x_dst, row, col)

# --- scband reference (transcript-rebuilt; emitter-appended) ---
"""Pipeline reference for scband-link-predictor-32014686224884 (READ-ONLY COPY).

The authoritative reference and input builder live on the scoring server;
editing this copy changes nothing except your own understanding.
"""

import jax, jax.numpy as jnp
import numpy as np


def setup_inputs(seed: int = 0) -> dict:
    key = jax.random.key(seed)
    k1, k2, k3 = jax.random.split(key, 3)
    x_src = jax.random.normal(k1, (10000, 128), dtype=jnp.float32)
    x_dst = jax.random.normal(k2, (10000, 128), dtype=jnp.float32)
    edge_label_index = jax.random.randint(k3, (2, 320000), 0, 10000, dtype=jnp.int64 if jax.config.jax_enable_x64 else jnp.int32)
    return {"x_src": x_src, "x_dst": x_dst, "edge_label_index": edge_label_index}


def reference(x_src, x_dst, edge_label_index):
    row = edge_label_index[0]
    col = edge_label_index[1]
    src_emb = jnp.take(x_src, row, axis=0)
    dst_emb = jnp.take(x_dst, col, axis=0)
    score = jnp.sum(src_emb * dst_emb, axis=-1)
    return score

if __name__ == "__main__":
    import jax
    _d = setup_inputs()
    print(jax.jit(kernel)(*tuple(_d.values())))

</pallas_src>

<mosaic_0001>
#map = affine_map<(d0, d1) -> (0, 0)>
#map1 = affine_map<(d0, d1) -> (0)>
module attributes {stable_mosaic.version = 14 : i64} {
  func.func @_sc_body(%arg0: i32, %arg1: i32, %arg2: memref<10000x128xf32, #tpu.memory_space<hbm>>, %arg3: memref<10000x128xf32, #tpu.memory_space<hbm>>, %arg4: memref<320000xi32, #tpu.memory_space<hbm>>, %arg5: memref<320000xi32, #tpu.memory_space<hbm>>, %arg6: memref<320000xf32, #tpu.memory_space<hbm>>, %arg7: memref<10000xi32, #tpu.memory_space<vmem>>, %arg8: memref<10000xi32, #tpu.memory_space<vmem>>, %arg9: memref<200x128xf32, #tpu.memory_space<vmem>>, %arg10: memref<200x128xf32, #tpu.memory_space<vmem>>, %arg11: memref<200x128xf32, #tpu.memory_space<vmem>>, %arg12: memref<200x128xf32, #tpu.memory_space<vmem>>, %arg13: memref<200xf32, #tpu.memory_space<vmem>>, %arg14: memref<200xf32, #tpu.memory_space<vmem>>, %arg15: memref<!tpu.dma_semaphore, #tpu.memory_space<semaphore_mem>>, %arg16: memref<!tpu.dma_semaphore, #tpu.memory_space<semaphore_mem>>, %arg17: memref<!tpu.dma_semaphore, #tpu.memory_space<semaphore_mem>>, %arg18: memref<!tpu.dma_semaphore, #tpu.memory_space<semaphore_mem>>, %arg19: memref<!tpu.dma_semaphore, #tpu.memory_space<semaphore_mem>>, %arg20: memref<!tpu.dma_semaphore, #tpu.memory_space<semaphore_mem>>) attributes {dimension_semantics = [#tpu.dimension_semantics<core_parallel>, #tpu.dimension_semantics<subcore_parallel>], iteration_bounds = array<i64: 2, 16>, scalar_prefetch = 0 : i64, scratch_operands = 14 : i64, tpu.core_type = #tpu.core_type<sc_vector_subcore>, window_params = [{transform_indices = #map}, {transform_indices = #map}, {transform_indices = #map1}, {transform_indices = #map1}, {transform_indices = #map1}]} {
    %mul3A = arith.constant 2 : i32
    %mul3A_0 = arith.muli %arg1, %mul3A : i32
    %add3A = arith.addi %mul3A_0, %arg0 : i32
    %mul3A_1 = arith.constant 10000 : i32
    %mul3A_2 = arith.muli %add3A, %mul3A_1 : i32
    %iota3A = tpu.iota {dimensions = array<i32: 0>} : vector<16xi32>
    %eq3A = arith.constant 15 : i32
    %eq3A_3 = vector.broadcast %eq3A : i32 to vector<16xi32>
    %eq3A_4 = arith.cmpi eq, %iota3A, %eq3A_3 : vector<16xi32>
    "tpu.region"() ({
      %run_scoped3A = tpu.sem_alloc : memref<!tpu.dma_semaphore, #tpu.memory_space<semaphore_mem>>
      %dma_start3A_25 = tpu.memref_slice %arg4[%mul3A_2] : memref<320000xi32, #tpu.memory_space<hbm>> -> memref<10000xi32, #tpu.memory_space<hbm>>
      %dma_start3A_26 = tpu.memref_slice %arg4[%mul3A_2] : memref<320000xi32, #tpu.memory_space<hbm>> -> memref<10000xi32, #tpu.memory_space<hbm>>
      tpu.enqueue_dma source(%dma_start3A_26 : memref<10000xi32, #tpu.memory_space<hbm>>) target(%arg7 : memref<10000xi32, #tpu.memory_space<vmem>>) target_semaphore(%run_scoped3A : memref<!tpu.dma_semaphore, #tpu.memory_space<semaphore_mem>>)
      %dma_wait3A_27 = tpu.memref_slice %arg4[%mul3A_2] : memref<320000xi32, #tpu.memory_space<hbm>> -> memref<10000xi32, #tpu.memory_space<hbm>>
      %dma_wait3A_28 = tpu.memref_slice %arg4[%mul3A_2] : memref<320000xi32, #tpu.memory_space<hbm>> -> memref<10000xi32, #tpu.memory_space<hbm>>
      tpu.wait_dma2 semaphore(%run_scoped3A : memref<!tpu.dma_semaphore, #tpu.memory_space<semaphore_mem>>) src(%dma_wait3A_28 : memref<10000xi32, #tpu.memory_space<hbm>>) dst(%arg7 : memref<10000xi32, #tpu.memory_space<vmem>>)
      tpu.yield
    }) : () -> ()
    "tpu.region"() ({
      %run_scoped3A = tpu.sem_alloc : memref<!tpu.dma_semaphore, #tpu.memory_space<semaphore_mem>>
      %dma_start3A_25 = tpu.memref_slice %arg5[%mul3A_2] : memref<320000xi32, #tpu.memory_space<hbm>> -> memref<10000xi32, #tpu.memory_space<hbm>>
      %dma_start3A_26 = tpu.memref_slice %arg5[%mul3A_2] : memref<320000xi32, #tpu.memory_space<hbm>> -> memref<10000xi32, #tpu.memory_space<hbm>>
      tpu.enqueue_dma source(%dma_start3A_26 : memref<10000xi32, #tpu.memory_space<hbm>>) target(%arg8 : memref<10000xi32, #tpu.memory_space<vmem>>) target_semaphore(%run_scoped3A : memref<!tpu.dma_semaphore, #tpu.memory_space<semaphore_mem>>)
      %dma_wait3A_27 = tpu.memref_slice %arg5[%mul3A_2] : memref<320000xi32, #tpu.memory_space<hbm>> -> memref<10000xi32, #tpu.memory_space<hbm>>
      %dma_wait3A_28 = tpu.memref_slice %arg5[%mul3A_2] : memref<320000xi32, #tpu.memory_space<hbm>> -> memref<10000xi32, #tpu.memory_space<hbm>>
      tpu.wait_dma2 semaphore(%run_scoped3A : memref<!tpu.dma_semaphore, #tpu.memory_space<semaphore_mem>>) src(%dma_wait3A_28 : memref<10000xi32, #tpu.memory_space<hbm>>) dst(%arg8 : memref<10000xi32, #tpu.memory_space<vmem>>)
      tpu.yield
    }) : () -> ()
    %dma_start3A = arith.constant 0 : i32
    %dma_start3A_5 = tpu.memref_slice %arg7[%dma_start3A] : memref<10000xi32, #tpu.memory_space<vmem>> -> memref<200xi32, #tpu.memory_space<vmem>>
    %dma_start3A_6 = arith.constant 0 : i32
    %dma_start3A_7 = arith.constant 0 : i32
    %dma_start3A_8 = tpu.memref_slice %arg2[%dma_start3A_6, %dma_start3A_7] : memref<10000x128xf32, #tpu.memory_space<hbm>> -> memref<10000x128xf32, #tpu.memory_space<hbm>>
    tpu.enqueue_indirect_dma source(%dma_start3A_8 : memref<10000x128xf32, #tpu.memory_space<hbm>>) target(%arg9 : memref<200x128xf32, #tpu.memory_space<vmem>>) offsets(%dma_start3A_5 : memref<200xi32, #tpu.memory_space<vmem>>) semaphore(%arg15 : memref<!tpu.dma_semaphore, #tpu.memory_space<semaphore_mem>>)
    %dma_start3A_9 = arith.constant 0 : i32
    %dma_start3A_10 = tpu.memref_slice %arg8[%dma_start3A_9] : memref<10000xi32, #tpu.memory_space<vmem>> -> memref<200xi32, #tpu.memory_space<vmem>>
    %dma_start3A_11 = arith.constant 0 : i32
    %dma_start3A_12 = arith.constant 0 : i32
    %dma_start3A_13 = tpu.memref_slice %arg3[%dma_start3A_11, %dma_start3A_12] : memref<10000x128xf32, #tpu.memory_space<hbm>> -> memref<10000x128xf32, #tpu.memory_space<hbm>>
    tpu.enqueue_indirect_dma source(%dma_start3A_13 : memref<10000x128xf32, #tpu.memory_space<hbm>>) target(%arg11 : memref<200x128xf32, #tpu.memory_space<vmem>>) offsets(%dma_start3A_10 : memref<200xi32, #tpu.memory_space<vmem>>) semaphore(%arg17 : memref<!tpu.dma_semaphore, #tpu.memory_space<semaphore_mem>>)
    %scan3A = arith.constant 0 : i32
    %scan3A_14 = arith.constant 25 : i32
    %scan3A_15 = arith.addi %scan3A, %scan3A_14 : i32
    %scan3A_16 = arith.constant 1 : i32
    scf.for %scan3A_25 = %scan3A to %scan3A_15 step %scan3A_16  : i32 {
      %mul3A_26 = arith.constant 2 : i32
      %mul3A_27 = arith.muli %scan3A_25, %mul3A_26 : i32
      %add3A_28 = arith.constant 0 : i32
      %add3A_29 = arith.addi %add3A_28, %mul3A_27 : i32
      %add3A_30 = arith.constant 0 : i32
      %add3A_31 = arith.addi %add3A_29, %add3A_30 : i32
      %add3A_32 = arith.constant 1 : i32
      %add3A_33 = arith.addi %add3A_31, %add3A_32 : i32
      %lt3A = arith.constant 50 : i32
      %lt3A_34 = arith.cmpi slt, %add3A_33, %lt3A : i32
      %convert_element_type3A = arith.extui %lt3A_34 : i1 to i32
      %cond3A = arith.constant 0 : i32
      %cond3A_35 = arith.cmpi ne, %convert_element_type3A, %cond3A : i32
      scf.if %cond3A_35 {
        %mul3A_94 = arith.constant 200 : i32
        %mul3A_95 = arith.muli %add3A_33, %mul3A_94 : i32
        %dma_start3A_96 = tpu.memref_slice %arg7[%mul3A_95] : memref<10000xi32, #tpu.memory_space<vmem>> -> memref<200xi32, #tpu.memory_space<vmem>>
        %dma_start3A_97 = arith.constant 0 : i32
        %dma_start3A_98 = arith.constant 0 : i32
        %dma_start3A_99 = tpu.memref_slice %arg2[%dma_start3A_97, %dma_start3A_98] : memref<10000x128xf32, #tpu.memory_space<hbm>> -> memref<10000x128xf32, #tpu.memory_space<hbm>>
        tpu.enqueue_indirect_dma source(%dma_start3A_99 : memref<10000x128xf32, #tpu.memory_space<hbm>>) target(%arg10 : memref<200x128xf32, #tpu.memory_space<vmem>>) offsets(%dma_start3A_96 : memref<200xi32, #tpu.memory_space<vmem>>) semaphore(%arg16 : memref<!tpu.dma_semaphore, #tpu.memory_space<semaphore_mem>>)
        %dma_start3A_100 = tpu.memref_slice %arg8[%mul3A_95] : memref<10000xi32, #tpu.memory_space<vmem>> -> memref<200xi32, #tpu.memory_space<vmem>>
        %dma_start3A_101 = arith.constant 0 : i32
        %dma_start3A_102 = arith.constant 0 : i32
        %dma_start3A_103 = tpu.memref_slice %arg3[%dma_start3A_101, %dma_start3A_102] : memref<10000x128xf32, #tpu.memory_space<hbm>> -> memref<10000x128xf32, #tpu.memory_space<hbm>>
        tpu.enqueue_indirect_dma source(%dma_start3A_103 : memref<10000x128xf32, #tpu.memory_space<hbm>>) target(%arg12 : memref<200x128xf32, #tpu.memory_space<vmem>>) offsets(%dma_start3A_100 : memref<200xi32, #tpu.memory_space<vmem>>) semaphore(%arg18 : memref<!tpu.dma_semaphore, #tpu.memory_space<semaphore_mem>>)
      } else {
      }
      %dma_wait3A_36 = arith.constant 0 : i32
      %dma_wait3A_37 = tpu.memref_slice %arg7[%dma_wait3A_36] : memref<10000xi32, #tpu.memory_space<vmem>> -> memref<200xi32, #tpu.memory_space<vmem>>
      %dma_wait3A_38 = arith.constant 0 : i32
      %dma_wait3A_39 = arith.constant 0 : i32
      %dma_wait3A_40 = tpu.memref_slice %arg2[%dma_wait3A_38, %dma_wait3A_39] : memref<10000x128xf32, #tpu.memory_space<hbm>> -> memref<10000x128xf32, #tpu.memory_space<hbm>>
      tpu.wait_indirect_dma semaphore(%arg15 : memref<!tpu.dma_semaphore, #tpu.memory_space<semaphore_mem>>) src(%dma_wait3A_40 : memref<10000x128xf32, #tpu.memory_space<hbm>>) dst(%arg9 : memref<200x128xf32, #tpu.memory_space<vmem>>)
      %dma_wait3A_41 = arith.constant 0 : i32
      %dma_wait3A_42 = tpu.memref_slice %arg8[%dma_wait3A_41] : memref<10000xi32, #tpu.memory_space<vmem>> -> memref<200xi32, #tpu.memory_space<vmem>>
      %dma_wait3A_43 = arith.constant 0 : i32
      %dma_wait3A_44 = arith.constant 0 : i32
      %dma_wait3A_45 = tpu.memref_slice %arg3[%dma_wait3A_43, %dma_wait3A_44] : memref<10000x128xf32, #tpu.memory_space<hbm>> -> memref<10000x128xf32, #tpu.memory_space<hbm>>
      tpu.wait_indirect_dma semaphore(%arg17 : memref<!tpu.dma_semaphore, #tpu.memory_space<semaphore_mem>>) src(%dma_wait3A_45 : memref<10000x128xf32, #tpu.memory_space<hbm>>) dst(%arg11 : memref<200x128xf32, #tpu.memory_space<vmem>>)
      %ge3A = arith.constant 2 : i32
      %ge3A_46 = arith.cmpi sge, %add3A_31, %ge3A : i32
      %convert_element_type3A_47 = arith.extui %ge3A_46 : i1 to i32
      %cond3A_48 = arith.constant 0 : i32
      %cond3A_49 = arith.cmpi ne, %convert_element_type3A_47, %cond3A_48 : i32
      scf.if %cond3A_49 {
        %dma_wait3A_94 = arith.constant 0 : i32
        %dma_wait3A_95 = tpu.memref_slice %arg6[%dma_wait3A_94] : memref<320000xf32, #tpu.memory_space<hbm>> -> memref<200xf32, #tpu.memory_space<hbm>>
        %dma_wait3A_96 = arith.constant 0 : i32
        %dma_wait3A_97 = tpu.memref_slice %arg6[%dma_wait3A_96] : memref<320000xf32, #tpu.memory_space<hbm>> -> memref<200xf32, #tpu.memory_space<hbm>>
        tpu.wait_dma2 semaphore(%arg19 : memref<!tpu.dma_semaphore, #tpu.memory_space<semaphore_mem>>) src(%arg13 : memref<200xf32, #tpu.memory_space<vmem>>) dst(%dma_wait3A_97 : memref<200xf32, #tpu.memory_space<hbm>>)
      } else {
      }
      %scan3A_50 = arith.constant 0 : i32
      %scan3A_51 = arith.constant 200 : i32
      %scan3A_52 = arith.addi %scan3A_50, %scan3A_51 : i32
      %scan3A_53 = arith.constant 2 : i32
      scf.for %scan3A_94 = %scan3A_50 to %scan3A_52 step %scan3A_53  : i32 {
        %mul3A_95 = arith.constant 1 : i32
        %mul3A_96 = arith.muli %scan3A_94, %mul3A_95 : i32
        %add3A_97 = arith.constant 0 : i32
        %add3A_98 = arith.addi %add3A_97, %mul3A_96 : i32
        %broadcast_in_dim3A = arith.constant 0.000000e+00 : f32
        %broadcast_in_dim3A_99 = vector.broadcast %broadcast_in_dim3A : f32 to vector<16xf32>
        %broadcast_in_dim3A_100 = arith.constant 0.000000e+00 : f32
        %broadcast_in_dim3A_101 = vector.broadcast %broadcast_in_dim3A_100 : f32 to vector<16xf32>
        %get3A = arith.index_cast %add3A_98 : i32 to index
        %get3A_102 = arith.constant 0 : index
        %get3A_103 = tpu.vector_load %arg9[%get3A, %get3A_102] {strides = array<i32>} : memref<200x128xf32, #tpu.memory_space<vmem>>, vector<16xf32>,
        %get3A_104 = arith.index_cast %add3A_98 : i32 to index
        %get3A_105 = arith.constant 0 : index
        %get3A_106 = tpu.vector_load %arg11[%get3A_104, %get3A_105] {strides = array<i32>} : memref<200x128xf32, #tpu.memory_space<vmem>>, vector<16xf32>,
        %mul3A_107 = arith.mulf %get3A_103, %get3A_106 : vector<16xf32>
        %add3A_108 = arith.addf %broadcast_in_dim3A_99, %mul3A_107 : vector<16xf32>
        %get3A_109 = arith.index_cast %add3A_98 : i32 to index
        %get3A_110 = arith.constant 16 : index
        %get3A_111 = tpu.vector_load %arg9[%get3A_109, %get3A_110] {strides = array<i32>} : memref<200x128xf32, #tpu.memory_space<vmem>>, vector<16xf32>,
        %get3A_112 = arith.index_cast %add3A_98 : i32 to index
        %get3A_113 = arith.constant 16 : index
        %get3A_114 = tpu.vector_load %arg11[%get3A_112, %get3A_113] {strides = array<i32>} : memref<200x128xf32, #tpu.memory_space<vmem>>, vector<16xf32>,
        %mul3A_115 = arith.mulf %get3A_111, %get3A_114 : vector<16xf32>
        %add3A_116 = arith.addf %broadcast_in_dim3A_101, %mul3A_115 : vector<16xf32>
        %get3A_117 = arith.index_cast %add3A_98 : i32 to index
        %get3A_118 = arith.constant 32 : index
        %get3A_119 = tpu.vector_load %arg9[%get3A_117, %get3A_118] {strides = array<i32>} : memref<200x128xf32, #tpu.memory_space<vmem>>, vector<16xf32>,
        %get3A_120 = arith.index_cast %add3A_98 : i32 to index
        %get3A_121 = arith.constant 32 : index
        %get3A_122 = tpu.vector_load %arg11[%get3A_120, %get3A_121] {strides = array<i32>} : memref<200x128xf32, #tpu.memory_space<vmem>>, vector<16xf32>,
        %mul3A_123 = arith.mulf %get3A_119, %get3A_122 : vector<16xf32>
        %add3A_124 = arith.addf %add3A_108, %mul3A_123 : vector<16xf32>
        %get3A_125 = arith.index_cast %add3A_98 : i32 to index
        %get3A_126 = arith.constant 48 : index
        %get3A_127 = tpu.vector_load %arg9[%get3A_125, %get3A_126] {strides = array<i32>} : memref<200x128xf32, #tpu.memory_space<vmem>>, vector<16xf32>,
        %get3A_128 = arith.index_cast %add3A_98 : i32 to index
        %get3A_129 = arith.constant 48 : index
        %get3A_130 = tpu.vector_load %arg11[%get3A_128, %get3A_129] {strides = array<i32>} : memref<200x128xf32, #tpu.memory_space<vmem>>, vector<16xf32>,
        %mul3A_131 = arith.mulf %get3A_127, %get3A_130 : vector<16xf32>
        %add3A_132 = arith.addf %add3A_116, %mul3A_131 : vector<16xf32>
        %get3A_133 = arith.index_cast %add3A_98 : i32 to index
        %get3A_134 = arith.constant 64 : index
        %get3A_135 = tpu.vector_load %arg9[%get3A_133, %get3A_134] {strides = array<i32>} : memref<200x128xf32, #tpu.memory_space<vmem>>, vector<16xf32>,
        %get3A_136 = arith.index_cast %add3A_98 : i32 to index
        %get3A_137 = arith.constant 64 : index
        %get3A_138 = tpu.vector_load %arg11[%get3A_136, %get3A_137] {strides = array<i32>} : memref<200x128xf32, #tpu.memory_space<vmem>>, vector<16xf32>,
        %mul3A_139 = arith.mulf %get3A_135, %get3A_138 : vector<16xf32>
        %add3A_140 = arith.addf %add3A_124, %mul3A_139 : vector<16xf32>
        %get3A_141 = arith.index_cast %add3A_98 : i32 to index
        %get3A_142 = arith.constant 80 : index
        %get3A_143 = tpu.vector_load %arg9[%get3A_141, %get3A_142] {strides = array<i32>} : memref<200x128xf32, #tpu.memory_space<vmem>>, vector<16xf32>,
        %get3A_144 = arith.index_cast %add3A_98 : i32 to index
        %get3A_145 = arith.constant 80 : index
        %get3A_146 = tpu.vector_load %arg11[%get3A_144, %get3A_145] {strides = array<i32>} : memref<200x128xf32, #tpu.memory_space<vmem>>, vector<16xf32>,
        %mul3A_147 = arith.mulf %get3A_143, %get3A_146 : vector<16xf32>
        %add3A_148 = arith.addf %add3A_132, %mul3A_147 : vector<16xf32>
        %get3A_149 = arith.index_cast %add3A_98 : i32 to index
        %get3A_150 = arith.constant 96 : index
        %get3A_151 = tpu.vector_load %arg9[%get3A_149, %get3A_150] {strides = array<i32>} : memref<200x128xf32, #tpu.memory_space<vmem>>, vector<16xf32>,
        %get3A_152 = arith.index_cast %add3A_98 : i32 to index
        %get3A_153 = arith.constant 96 : index
        %get3A_154 = tpu.vector_load %arg11[%get3A_152, %get3A_153] {strides = array<i32>} : memref<200x128xf32, #tpu.memory_space<vmem>>, vector<16xf32>,
        %mul3A_155 = arith.mulf %get3A_151, %get3A_154 : vector<16xf32>
        %add3A_156 = arith.addf %add3A_140, %mul3A_155 : vector<16xf32>
        %get3A_157 = arith.index_cast %add3A_98 : i32 to index
        %get3A_158 = arith.constant 112 : index
        %get3A_159 = tpu.vector_load %arg9[%get3A_157, %get3A_158] {strides = array<i32>} : memref<200x128xf32, #tpu.memory_space<vmem>>, vector<16xf32>,
        %get3A_160 = arith.index_cast %add3A_98 : i32 to index
        %get3A_161 = arith.constant 112 : index
        %get3A_162 = tpu.vector_load %arg11[%get3A_160, %get3A_161] {strides = array<i32>} : memref<200x128xf32, #tpu.memory_space<vmem>>, vector<16xf32>,
        %mul3A_163 = arith.mulf %get3A_159, %get3A_162 : vector<16xf32>
        %add3A_164 = arith.addf %add3A_148, %mul3A_163 : vector<16xf32>
        %add3A_165 = arith.addf %add3A_156, %add3A_164 : vector<16xf32>
        %cumsum3A = arith.constant true
        %cumsum3A_166 = vector.broadcast %cumsum3A : i1 to vector<16xi1>
        %cumsum3A_167 = tpu.scan <sum>, %add3A_165 masked %cumsum3A_166 : vector<16xf32>, vector<16xi1> -> vector<16xf32>
        %broadcast_in_dim3A_168 = vector.broadcast %add3A_98 : i32 to vector<16xi32>
        tpu.vector_store_idx %arg13[%broadcast_in_dim3A_168], %cumsum3A_167 masked %eq3A_4 : memref<200xf32, #tpu.memory_space<vmem>>[vector<16xi32>], vector<16xf32>, vector<16xi1>
        %scan3A_169 = arith.constant 1 : i32
        %scan3A_170 = arith.addi %scan3A_94, %scan3A_169 : i32
        %mul3A_171 = arith.constant 1 : i32
        %mul3A_172 = arith.muli %scan3A_170, %mul3A_171 : i32
        %add3A_173 = arith.constant 0 : i32
        %add3A_174 = arith.addi %add3A_173, %mul3A_172 : i32
        %broadcast_in_dim3A_175 = arith.constant 0.000000e+00 : f32
        %broadcast_in_dim3A_176 = vector.broadcast %broadcast_in_dim3A_175 : f32 to vector<16xf32>
        %broadcast_in_dim3A_177 = arith.constant 0.000000e+00 : f32
        %broadcast_in_dim3A_178 = vector.broadcast %broadcast_in_dim3A_177 : f32 to vector<16xf32>
        %get3A_179 = arith.index_cast %add3A_174 : i32 to index
        %get3A_180 = arith.constant 0 : index
        %get3A_181 = tpu.vector_load %arg9[%get3A_179, %get3A_180] {strides = array<i32>} : memref<200x128xf32, #tpu.memory_space<vmem>>, vector<16xf32>,
        %get3A_182 = arith.index_cast %add3A_174 : i32 to index
        %get3A_183 = arith.constant 0 : index
        %get3A_184 = tpu.vector_load %arg11[%get3A_182, %get3A_183] {strides = array<i32>} : memref<200x128xf32, #tpu.memory_space<vmem>>, vector<16xf32>,
        %mul3A_185 = arith.mulf %get3A_181, %get3A_184 : vector<16xf32>
        %add3A_186 = arith.addf %broadcast_in_dim3A_176, %mul3A_185 : vector<16xf32>
        %get3A_187 = arith.index_cast %add3A_174 : i32 to index
        %get3A_188 = arith.constant 16 : index
        %get3A_189 = tpu.vector_load %arg9[%get3A_187, %get3A_188] {strides = array<i32>} : memref<200x128xf32, #tpu.memory_space<vmem>>, vector<16xf32>,
        %get3A_190 = arith.index_cast %add3A_174 : i32 to index
        %get3A_191 = arith.constant 16 : index
        %get3A_192 = tpu.vector_load %arg11[%get3A_190, %get3A_191] {strides = array<i32>} : memref<200x128xf32, #tpu.memory_space<vmem>>, vector<16xf32>,
        %mul3A_193 = arith.mulf %get3A_189, %get3A_192 : vector<16xf32>
        %add3A_194 = arith.addf %broadcast_in_dim3A_178, %mul3A_193 : vector<16xf32>
        %get3A_195 = arith.index_cast %add3A_174 : i32 to index
        %get3A_196 = arith.constant 32 : index
        %get3A_197 = tpu.vector_load %arg9[%get3A_195, %get3A_196] {strides = array<i32>} : memref<200x128xf32, #tpu.memory_space<vmem>>, vector<16xf32>,
        %get3A_198 = arith.index_cast %add3A_174 : i32 to index
        %get3A_199 = arith.constant 32 : index
        %get3A_200 = tpu.vector_load %arg11[%get3A_198, %get3A_199] {strides = array<i32>} : memref<200x128xf32, #tpu.memory_space<vmem>>, vector<16xf32>,
        %mul3A_201 = arith.mulf %get3A_197, %get3A_200 : vector<16xf32>
        %add3A_202 = arith.addf %add3A_186, %mul3A_201 : vector<16xf32>
        %get3A_203 = arith.index_cast %add3A_174 : i32 to index
        %get3A_204 = arith.constant 48 : index
        %get3A_205 = tpu.vector_load %arg9[%get3A_203, %get3A_204] {strides = array<i32>} : memref<200x128xf32, #tpu.memory_space<vmem>>, vector<16xf32>,
        %get3A_206 = arith.index_cast %add3A_174 : i32 to index
        %get3A_207 = arith.constant 48 : index
        %get3A_208 = tpu.vector_load %arg11[%get3A_206, %get3A_207] {strides = array<i32>} : memref<200x128xf32, #tpu.memory_space<vmem>>, vector<16xf32>,
        %mul3A_209 = arith.mulf %get3A_205, %get3A_208 : vector<16xf32>
        %add3A_210 = arith.addf %add3A_194, %mul3A_209 : vector<16xf32>
        %get3A_211 = arith.index_cast %add3A_174 : i32 to index
        %get3A_212 = arith.constant 64 : index
        %get3A_213 = tpu.vector_load %arg9[%get3A_211, %get3A_212] {strides = array<i32>} : memref<200x128xf32, #tpu.memory_space<vmem>>, vector<16xf32>,
        %get3A_214 = arith.index_cast %add3A_174 : i32 to index
        %get3A_215 = arith.constant 64 : index
        %get3A_216 = tpu.vector_load %arg11[%get3A_214, %get3A_215] {strides = array<i32>} : memref<200x128xf32, #tpu.memory_space<vmem>>, vector<16xf32>,
        %mul3A_217 = arith.mulf %get3A_213, %get3A_216 : vector<16xf32>
        %add3A_218 = arith.addf %add3A_202, %mul3A_217 : vector<16xf32>
        %get3A_219 = arith.index_cast %add3A_174 : i32 to index
        %get3A_220 = arith.constant 80 : index
        %get3A_221 = tpu.vector_load %arg9[%get3A_219, %get3A_220] {strides = array<i32>} : memref<200x128xf32, #tpu.memory_space<vmem>>, vector<16xf32>,
        %get3A_222 = arith.index_cast %add3A_174 : i32 to index
        %get3A_223 = arith.constant 80 : index
        %get3A_224 = tpu.vector_load %arg11[%get3A_222, %get3A_223] {strides = array<i32>} : memref<200x128xf32, #tpu.memory_space<vmem>>, vector<16xf32>,
        %mul3A_225 = arith.mulf %get3A_221, %get3A_224 : vector<16xf32>
        %add3A_226 = arith.addf %add3A_210, %mul3A_225 : vector<16xf32>
        %get3A_227 = arith.index_cast %add3A_174 : i32 to index
        %get3A_228 = arith.constant 96 : index
        %get3A_229 = tpu.vector_load %arg9[%get3A_227, %get3A_228] {strides = array<i32>} : memref<200x128xf32, #tpu.memory_space<vmem>>, vector<16xf32>,
        %get3A_230 = arith.index_cast %add3A_174 : i32 to index
        %get3A_231 = arith.constant 96 : index
        %get3A_232 = tpu.vector_load %arg11[%get3A_230, %get3A_231] {strides = array<i32>} : memref<200x128xf32, #tpu.memory_space<vmem>>, vector<16xf32>,
        %mul3A_233 = arith.mulf %get3A_229, %get3A_232 : vector<16xf32>
        %add3A_234 = arith.addf %add3A_218, %mul3A_233 : vector<16xf32>
        %get3A_235 = arith.index_cast %add3A_174 : i32 to index
        %get3A_236 = arith.constant 112 : index
        %get3A_237 = tpu.vector_load %arg9[%get3A_235, %get3A_236] {strides = array<i32>} : memref<200x128xf32, #tpu.memory_space<vmem>>, vector<16xf32>,
        %get3A_238 = arith.index_cast %add3A_174 : i32 to index
        %get3A_239 = arith.constant 112 : index
        %get3A_240 = tpu.vector_load %arg11[%get3A_238, %get3A_239] {strides = array<i32>} : memref<200x128xf32, #tpu.memory_space<vmem>>, vector<16xf32>,
        %mul3A_241 = arith.mulf %get3A_237, %get3A_240 : vector<16xf32>
        %add3A_242 = arith.addf %add3A_226, %mul3A_241 : vector<16xf32>
        %add3A_243 = arith.addf %add3A_234, %add3A_242 : vector<16xf32>
        %cumsum3A_244 = arith.constant true
        %cumsum3A_245 = vector.broadcast %cumsum3A_244 : i1 to vector<16xi1>
        %cumsum3A_246 = tpu.scan <sum>, %add3A_243 masked %cumsum3A_245 : vector<16xf32>, vector<16xi1> -> vector<16xf32>
        %broadcast_in_dim3A_247 = vector.broadcast %add3A_174 : i32 to vector<16xi32>
        tpu.vector_store_idx %arg13[%broadcast_in_dim3A_247], %cumsum3A_246 masked %eq3A_4 : memref<200xf32, #tpu.memory_space<vmem>>[vector<16xi32>], vector<16xf32>, vector<16xi1>
      }
      %scan3A_54 = arith.constant 200 : i32
      %mul3A_55 = arith.constant 200 : i32
      %mul3A_56 = arith.muli %add3A_31, %mul3A_55 : i32
      %add3A_57 = arith.addi %mul3A_2, %mul3A_56 : i32
      %dma_start3A_58 = tpu.memref_slice %arg6[%add3A_57] : memref<320000xf32, #tpu.memory_space<hbm>> -> memref<200xf32, #tpu.memory_space<hbm>>
      %dma_start3A_59 = tpu.memref_slice %arg6[%add3A_57] : memref<320000xf32, #tpu.memory_space<hbm>> -> memref<200xf32, #tpu.memory_space<hbm>>
      tpu.enqueue_dma source(%arg13 : memref<200xf32, #tpu.memory_space<vmem>>) target(%dma_start3A_59 : memref<200xf32, #tpu.memory_space<hbm>>) target_semaphore(%arg19 : memref<!tpu.dma_semaphore, #tpu.memory_space<semaphore_mem>>)
      %add3A_60 = arith.constant 1 : i32
      %add3A_61 = arith.addi %add3A_29, %add3A_60 : i32
      %add3A_62 = arith.constant 1 : i32
      %add3A_63 = arith.addi %add3A_61, %add3A_62 : i32
      %lt3A_64 = arith.constant 50 : i32
      %lt3A_65 = arith.cmpi slt, %add3A_63, %lt3A_64 : i32
      %convert_element_type3A_66 = arith.extui %lt3A_65 : i1 to i32
      %cond3A_67 = arith.constant 0 : i32
      %cond3A_68 = arith.cmpi ne, %convert_element_type3A_66, %cond3A_67 : i32
      scf.if %cond3A_68 {
        %mul3A_94 = arith.constant 200 : i32
        %mul3A_95 = arith.muli %add3A_63, %mul3A_94 : i32
        %dma_start3A_96 = tpu.memref_slice %arg7[%mul3A_95] : memref<10000xi32, #tpu.memory_space<vmem>> -> memref<200xi32, #tpu.memory_space<vmem>>
        %dma_start3A_97 = arith.constant 0 : i32
        %dma_start3A_98 = arith.constant 0 : i32
        %dma_start3A_99 = tpu.memref_slice %arg2[%dma_start3A_97, %dma_start3A_98] : memref<10000x128xf32, #tpu.memory_space<hbm>> -> memref<10000x128xf32, #tpu.memory_space<hbm>>
        tpu.enqueue_indirect_dma source(%dma_start3A_99 : memref<10000x128xf32, #tpu.memory_space<hbm>>) target(%arg9 : memref<200x128xf32, #tpu.memory_space<vmem>>) offsets(%dma_start3A_96 : memref<200xi32, #tpu.memory_space<vmem>>) semaphore(%arg15 : memref<!tpu.dma_semaphore, #tpu.memory_space<semaphore_mem>>)
        %dma_start3A_100 = tpu.memref_slice %arg8[%mul3A_95] : memref<10000xi32, #tpu.memory_space<vmem>> -> memref<200xi32, #tpu.memory_space<vmem>>
        %dma_start3A_101 = arith.constant 0 : i32
        %dma_start3A_102 = arith.constant 0 : i32
        %dma_start3A_103 = tpu.memref_slice %arg3[%dma_start3A_101, %dma_start3A_102] : memref<10000x128xf32, #tpu.memory_space<hbm>> -> memref<10000x128xf32, #tpu.memory_space<hbm>>
        tpu.enqueue_indirect_dma source(%dma_start3A_103 : memref<10000x128xf32, #tpu.memory_space<hbm>>) target(%arg11 : memref<200x128xf32, #tpu.memory_space<vmem>>) offsets(%dma_start3A_100 : memref<200xi32, #tpu.memory_space<vmem>>) semaphore(%arg17 : memref<!tpu.dma_semaphore, #tpu.memory_space<semaphore_mem>>)
      } else {
      }
      %dma_wait3A_69 = arith.constant 0 : i32
      %dma_wait3A_70 = tpu.memref_slice %arg7[%dma_wait3A_69] : memref<10000xi32, #tpu.memory_space<vmem>> -> memref<200xi32, #tpu.memory_space<vmem>>
      %dma_wait3A_71 = arith.constant 0 : i32
      %dma_wait3A_72 = arith.constant 0 : i32
      %dma_wait3A_73 = tpu.memref_slice %arg2[%dma_wait3A_71, %dma_wait3A_72] : memref<10000x128xf32, #tpu.memory_space<hbm>> -> memref<10000x128xf32, #tpu.memory_space<hbm>>
      tpu.wait_indirect_dma semaphore(%arg16 : memref<!tpu.dma_semaphore, #tpu.memory_space<semaphore_mem>>) src(%dma_wait3A_73 : memref<10000x128xf32, #tpu.memory_space<hbm>>) dst(%arg10 : memref<200x128xf32, #tpu.memory_space<vmem>>)
      %dma_wait3A_74 = arith.constant 0 : i32
      %dma_wait3A_75 = tpu.memref_slice %arg8[%dma_wait3A_74] : memref<10000xi32, #tpu.memory_space<vmem>> -> memref<200xi32, #tpu.memory_space<vmem>>
      %dma_wait3A_76 = arith.constant 0 : i32
      %dma_wait3A_77 = arith.constant 0 : i32
      %dma_wait3A_78 = tpu.memref_slice %arg3[%dma_wait3A_76, %dma_wait3A_77] : memref<10000x128xf32, #tpu.memory_space<hbm>> -> memref<10000x128xf32, #tpu.memory_space<hbm>>
      tpu.wait_indirect_dma semaphore(%arg18 : memref<!tpu.dma_semaphore, #tpu.memory_space<semaphore_mem>>) src(%dma_wait3A_78 : memref<10000x128xf32, #tpu.memory_space<hbm>>) dst(%arg12 : memref<200x128xf32, #tpu.memory_space<vmem>>)
      %ge3A_79 = arith.constant 2 : i32
      %ge3A_80 = arith.cmpi sge, %add3A_61, %ge3A_79 : i32
      %convert_element_type3A_81 = arith.extui %ge3A_80 : i1 to i32
      %cond3A_82 = arith.constant 0 : i32
      %cond3A_83 = arith.cmpi ne, %convert_element_type3A_81, %cond3A_82 : i32
      scf.if %cond3A_83 {
        %dma_wait3A_94 = arith.constant 0 : i32
        %dma_wait3A_95 = tpu.memref_slice %arg6[%dma_wait3A_94] : memref<320000xf32, #tpu.memory_space<hbm>> -> memref<200xf32, #tpu.memory_space<hbm>>
        %dma_wait3A_96 = arith.constant 0 : i32
        %dma_wait3A_97 = tpu.memref_slice %arg6[%dma_wait3A_96] : memref<320000xf32, #tpu.memory_space<hbm>> -> memref<200xf32, #tpu.memory_space<hbm>>
        tpu.wait_dma2 semaphore(%arg20 : memref<!tpu.dma_semaphore, #tpu.memory_space<semaphore_mem>>) src(%arg14 : memref<200xf32, #tpu.memory_space<vmem>>) dst(%dma_wait3A_97 : memref<200xf32, #tpu.memory_space<hbm>>)
      } else {
      }
      %scan3A_84 = arith.constant 0 : i32
      %scan3A_85 = arith.constant 200 : i32
      %scan3A_86 = arith.addi %scan3A_84, %scan3A_85 : i32
      %scan3A_87 = arith.constant 2 : i32
      scf.for %scan3A_94 = %scan3A_84 to %scan3A_86 step %scan3A_87  : i32 {
        %mul3A_95 = arith.constant 1 : i32
        %mul3A_96 = arith.muli %scan3A_94, %mul3A_95 : i32
        %add3A_97 = arith.constant 0 : i32
        %add3A_98 = arith.addi %add3A_97, %mul3A_96 : i32
        %broadcast_in_dim3A = arith.constant 0.000000e+00 : f32
        %broadcast_in_dim3A_99 = vector.broadcast %broadcast_in_dim3A : f32 to vector<16xf32>
        %broadcast_in_dim3A_100 = arith.constant 0.000000e+00 : f32
        %broadcast_in_dim3A_101 = vector.broadcast %broadcast_in_dim3A_100 : f32 to vector<16xf32>
        %get3A = arith.index_cast %add3A_98 : i32 to index
        %get3A_102 = arith.constant 0 : index
        %get3A_103 = tpu.vector_load %arg10[%get3A, %get3A_102] {strides = array<i32>} : memref<200x128xf32, #tpu.memory_space<vmem>>, vector<16xf32>,
        %get3A_104 = arith.index_cast %add3A_98 : i32 to index
        %get3A_105 = arith.constant 0 : index
        %get3A_106 = tpu.vector_load %arg12[%get3A_104, %get3A_105] {strides = array<i32>} : memref<200x128xf32, #tpu.memory_space<vmem>>, vector<16xf32>,
        %mul3A_107 = arith.mulf %get3A_103, %get3A_106 : vector<16xf32>
        %add3A_108 = arith.addf %broadcast_in_dim3A_99, %mul3A_107 : vector<16xf32>
        %get3A_109 = arith.index_cast %add3A_98 : i32 to index
        %get3A_110 = arith.constant 16 : index
        %get3A_111 = tpu.vector_load %arg10[%get3A_109, %get3A_110] {strides = array<i32>} : memref<200x128xf32, #tpu.memory_space<vmem>>, vector<16xf32>,
        %get3A_112 = arith.index_cast %add3A_98 : i32 to index
        %get3A_113 = arith.constant 16 : index
        %get3A_114 = tpu.vector_load %arg12[%get3A_112, %get3A_113] {strides = array<i32>} : memref<200x128xf32, #tpu.memory_space<vmem>>, vector<16xf32>,
        %mul3A_115 = arith.mulf %get3A_111, %get3A_114 : vector<16xf32>
        %add3A_116 = arith.addf %broadcast_in_dim3A_101, %mul3A_115 : vector<16xf32>
        %get3A_117 = arith.index_cast %add3A_98 : i32 to index
        %get3A_118 = arith.constant 32 : index
        %get3A_119 = tpu.vector_load %arg10[%get3A_117, %get3A_118] {strides = array<i32>} : memref<200x128xf32, #tpu.memory_space<vmem>>, vector<16xf32>,
        %get3A_120 = arith.index_cast %add3A_98 : i32 to index
        %get3A_121 = arith.constant 32 : index
        %get3A_122 = tpu.vector_load %arg12[%get3A_120, %get3A_121] {strides = array<i32>} : memref<200x128xf32, #tpu.memory_space<vmem>>, vector<16xf32>,
        %mul3A_123 = arith.mulf %get3A_119, %get3A_122 : vector<16xf32>
        %add3A_124 = arith.addf %add3A_108, %mul3A_123 : vector<16xf32>
        %get3A_125 = arith.index_cast %add3A_98 : i32 to index
        %get3A_126 = arith.constant 48 : index
        %get3A_127 = tpu.vector_load %arg10[%get3A_125, %get3A_126] {strides = array<i32>} : memref<200x128xf32, #tpu.memory_space<vmem>>, vector<16xf32>,
        %get3A_128 = arith.index_cast %add3A_98 : i32 to index
        %get3A_129 = arith.constant 48 : index
        %get3A_130 = tpu.vector_load %arg12[%get3A_128, %get3A_129] {strides = array<i32>} : memref<200x128xf32, #tpu.memory_space<vmem>>, vector<16xf32>,
        %mul3A_131 = arith.mulf %get3A_127, %get3A_130 : vector<16xf32>
        %add3A_132 = arith.addf %add3A_116, %mul3A_131 : vector<16xf32>
        %get3A_133 = arith.index_cast %add3A_98 : i32 to index
        %get3A_134 = arith.constant 64 : index
        %get3A_135 = tpu.vector_load %arg10[%get3A_133, %get3A_134] {strides = array<i32>} : memref<200x128xf32, #tpu.memory_space<vmem>>, vector<16xf32>,
        %get3A_136 = arith.index_cast %add3A_98 : i32 to index
        %get3A_137 = arith.constant 64 : index
        %get3A_138 = tpu.vector_load %arg12[%get3A_136, %get3A_137] {strides = array<i32>} : memref<200x128xf32, #tpu.memory_space<vmem>>, vector<16xf32>,
        %mul3A_139 = arith.mulf %get3A_135, %get3A_138 : vector<16xf32>
        %add3A_140 = arith.addf %add3A_124, %mul3A_139 : vector<16xf32>
        %get3A_141 = arith.index_cast %add3A_98 : i32 to index
        %get3A_142 = arith.constant 80 : index
        %get3A_143 = tpu.vector_load %arg10[%get3A_141, %get3A_142] {strides = array<i32>} : memref<200x128xf32, #tpu.memory_space<vmem>>, vector<16xf32>,
        %get3A_144 = arith.index_cast %add3A_98 : i32 to index
        %get3A_145 = arith.constant 80 : index
        %get3A_146 = tpu.vector_load %arg12[%get3A_144, %get3A_145] {strides = array<i32>} : memref<200x128xf32, #tpu.memory_space<vmem>>, vector<16xf32>,
        %mul3A_147 = arith.mulf %get3A_143, %get3A_146 : vector<16xf32>
        %add3A_148 = arith.addf %add3A_132, %mul3A_147 : vector<16xf32>
        %get3A_149 = arith.index_cast %add3A_98 : i32 to index
        %get3A_150 = arith.constant 96 : index
        %get3A_151 = tpu.vector_load %arg10[%get3A_149, %get3A_150] {strides = array<i32>} : memref<200x128xf32, #tpu.memory_space<vmem>>, vector<16xf32>,
        %get3A_152 = arith.index_cast %add3A_98 : i32 to index
        %get3A_153 = arith.constant 96 : index
        %get3A_154 = tpu.vector_load %arg12[%get3A_152, %get3A_153] {strides = array<i32>} : memref<200x128xf32, #tpu.memory_space<vmem>>, vector<16xf32>,
        %mul3A_155 = arith.mulf %get3A_151, %get3A_154 : vector<16xf32>
        %add3A_156 = arith.addf %add3A_140, %mul3A_155 : vector<16xf32>
        %get3A_157 = arith.index_cast %add3A_98 : i32 to index
        %get3A_158 = arith.constant 112 : index
        %get3A_159 = tpu.vector_load %arg10[%get3A_157, %get3A_158] {strides = array<i32>} : memref<200x128xf32, #tpu.memory_space<vmem>>, vector<16xf32>,
        %get3A_160 = arith.index_cast %add3A_98 : i32 to index
        %get3A_161 = arith.constant 112 : index
        %get3A_162 = tpu.vector_load %arg12[%get3A_160, %get3A_161] {strides = array<i32>} : memref<200x128xf32, #tpu.memory_space<vmem>>, vector<16xf32>,
        %mul3A_163 = arith.mulf %get3A_159, %get3A_162 : vector<16xf32>
        %add3A_164 = arith.addf %add3A_148, %mul3A_163 : vector<16xf32>
        %add3A_165 = arith.addf %add3A_156, %add3A_164 : vector<16xf32>
        %cumsum3A = arith.constant true
        %cumsum3A_166 = vector.broadcast %cumsum3A : i1 to vector<16xi1>
        %cumsum3A_167 = tpu.scan <sum>, %add3A_165 masked %cumsum3A_166 : vector<16xf32>, vector<16xi1> -> vector<16xf32>
        %broadcast_in_dim3A_168 = vector.broadcast %add3A_98 : i32 to vector<16xi32>
        tpu.vector_store_idx %arg14[%broadcast_in_dim3A_168], %cumsum3A_167 masked %eq3A_4 : memref<200xf32, #tpu.memory_space<vmem>>[vector<16xi32>], vector<16xf32>, vector<16xi1>
        %scan3A_169 = arith.constant 1 : i32
        %scan3A_170 = arith.addi %scan3A_94, %scan3A_169 : i32
        %mul3A_171 = arith.constant 1 : i32
        %mul3A_172 = arith.muli %scan3A_170, %mul3A_171 : i32
        %add3A_173 = arith.constant 0 : i32
        %add3A_174 = arith.addi %add3A_173, %mul3A_172 : i32
        %broadcast_in_dim3A_175 = arith.constant 0.000000e+00 : f32
        %broadcast_in_dim3A_176 = vector.broadcast %broadcast_in_dim3A_175 : f32 to vector<16xf32>
        %broadcast_in_dim3A_177 = arith.constant 0.000000e+00 : f32
        %broadcast_in_dim3A_178 = vector.broadcast %broadcast_in_dim3A_177 : f32 to vector<16xf32>
        %get3A_179 = arith.index_cast %add3A_174 : i32 to index
        %get3A_180 = arith.constant 0 : index
        %get3A_181 = tpu.vector_load %arg10[%get3A_179, %get3A_180] {strides = array<i32>} : memref<200x128xf32, #tpu.memory_space<vmem>>, vector<16xf32>,
        %get3A_182 = arith.index_cast %add3A_174 : i32 to index
        %get3A_183 = arith.constant 0 : index
        %get3A_184 = tpu.vector_load %arg12[%get3A_182, %get3A_183] {strides = array<i32>} : memref<200x128xf32, #tpu.memory_space<vmem>>, vector<16xf32>,
        %mul3A_185 = arith.mulf %get3A_181, %get3A_184 : vector<16xf32>
        %add3A_186 = arith.addf %broadcast_in_dim3A_176, %mul3A_185 : vector<16xf32>
        %get3A_187 = arith.index_cast %add3A_174 : i32 to index
        %get3A_188 = arith.constant 16 : index
        %get3A_189 = tpu.vector_load %arg10[%get3A_187, %get3A_188] {strides = array<i32>} : memref<200x128xf32, #tpu.memory_space<vmem>>, vector<16xf32>,
        %get3A_190 = arith.index_cast %add3A_174 : i32 to index
        %get3A_191 = arith.constant 16 : index
        %get3A_192 = tpu.vector_load %arg12[%get3A_190, %get3A_191] {strides = array<i32>} : memref<200x128xf32, #tpu.memory_space<vmem>>, vector<16xf32>,
        %mul3A_193 = arith.mulf %get3A_189, %get3A_192 : vector<16xf32>
        %add3A_194 = arith.addf %broadcast_in_dim3A_178, %mul3A_193 : vector<16xf32>
        %get3A_195 = arith.index_cast %add3A_174 : i32 to index
        %get3A_196 = arith.constant 32 : index
        %get3A_197 = tpu.vector_load %arg10[%get3A_195, %get3A_196] {strides = array<i32>} : memref<200x128xf32, #tpu.memory_space<vmem>>, vector<16xf32>,
        %get3A_198 = arith.index_cast %add3A_174 : i32 to index
        %get3A_199 = arith.constant 32 : index
        %get3A_200 = tpu.vector_load %arg12[%get3A_198, %get3A_199] {strides = array<i32>} : memref<200x128xf32, #tpu.memory_space<vmem>>, vector<16xf32>,
        %mul3A_201 = arith.mulf %get3A_197, %get3A_200 : vector<16xf32>
        %add3A_202 = arith.addf %add3A_186, %mul3A_201 : vector<16xf32>
        %get3A_203 = arith.index_cast %add3A_174 : i32 to index
        %get3A_204 = arith.constant 48 : index
        %get3A_205 = tpu.vector_load %arg10[%get3A_203, %get3A_204] {strides = array<i32>} : memref<200x128xf32, #tpu.memory_space<vmem>>, vector<16xf32>,
        %get3A_206 = arith.index_cast %add3A_174 : i32 to index
        %get3A_207 = arith.constant 48 : index
        %get3A_208 = tpu.vector_load %arg12[%get3A_206, %get3A_207] {strides = array<i32>} : memref<200x128xf32, #tpu.memory_space<vmem>>, vector<16xf32>,
        %mul3A_209 = arith.mulf %get3A_205, %get3A_208 : vector<16xf32>
        %add3A_210 = arith.addf %add3A_194, %mul3A_209 : vector<16xf32>
        %get3A_211 = arith.index_cast %add3A_174 : i32 to index
        %get3A_212 = arith.constant 64 : index
        %get3A_213 = tpu.vector_load %arg10[%get3A_211, %get3A_212] {strides = array<i32>} : memref<200x128xf32, #tpu.memory_space<vmem>>, vector<16xf32>,
        %get3A_214 = arith.index_cast %add3A_174 : i32 to index
        %get3A_215 = arith.constant 64 : index
        %get3A_216 = tpu.vector_load %arg12[%get3A_214, %get3A_215] {strides = array<i32>} : memref<200x128xf32, #tpu.memory_space<vmem>>, vector<16xf32>,
        %mul3A_217 = arith.mulf %get3A_213, %get3A_216 : vector<16xf32>
        %add3A_218 = arith.addf %add3A_202, %mul3A_217 : vector<16xf32>
        %get3A_219 = arith.index_cast %add3A_174 : i32 to index
        %get3A_220 = arith.constant 80 : index
        %get3A_221 = tpu.vector_load %arg10[%get3A_219, %get3A_220] {strides = array<i32>} : memref<200x128xf32, #tpu.memory_space<vmem>>, vector<16xf32>,
        %get3A_222 = arith.index_cast %add3A_174 : i32 to index
        %get3A_223 = arith.constant 80 : index
        %get3A_224 = tpu.vector_load %arg12[%get3A_222, %get3A_223] {strides = array<i32>} : memref<200x128xf32, #tpu.memory_space<vmem>>, vector<16xf32>,
        %mul3A_225 = arith.mulf %get3A_221, %get3A_224 : vector<16xf32>
        %add3A_226 = arith.addf %add3A_210, %mul3A_225 : vector<16xf32>
        %get3A_227 = arith.index_cast %add3A_174 : i32 to index
        %get3A_228 = arith.constant 96 : index
        %get3A_229 = tpu.vector_load %arg10[%get3A_227, %get3A_228] {strides = array<i32>} : memref<200x128xf32, #tpu.memory_space<vmem>>, vector<16xf32>,
        %get3A_230 = arith.index_cast %add3A_174 : i32 to index
        %get3A_231 = arith.constant 96 : index
        %get3A_232 = tpu.vector_load %arg12[%get3A_230, %get3A_231] {strides = array<i32>} : memref<200x128xf32, #tpu.memory_space<vmem>>, vector<16xf32>,
        %mul3A_233 = arith.mulf %get3A_229, %get3A_232 : vector<16xf32>
        %add3A_234 = arith.addf %add3A_218, %mul3A_233 : vector<16xf32>
        %get3A_235 = arith.index_cast %add3A_174 : i32 to index
        %get3A_236 = arith.constant 112 : index
        %get3A_237 = tpu.vector_load %arg10[%get3A_235, %get3A_236] {strides = array<i32>} : memref<200x128xf32, #tpu.memory_space<vmem>>, vector<16xf32>,
        %get3A_238 = arith.index_cast %add3A_174 : i32 to index
        %get3A_239 = arith.constant 112 : index
        %get3A_240 = tpu.vector_load %arg12[%get3A_238, %get3A_239] {strides = array<i32>} : memref<200x128xf32, #tpu.memory_space<vmem>>, vector<16xf32>,
        %mul3A_241 = arith.mulf %get3A_237, %get3A_240 : vector<16xf32>
        %add3A_242 = arith.addf %add3A_226, %mul3A_241 : vector<16xf32>
        %add3A_243 = arith.addf %add3A_234, %add3A_242 : vector<16xf32>
        %cumsum3A_244 = arith.constant true
        %cumsum3A_245 = vector.broadcast %cumsum3A_244 : i1 to vector<16xi1>
        %cumsum3A_246 = tpu.scan <sum>, %add3A_243 masked %cumsum3A_245 : vector<16xf32>, vector<16xi1> -> vector<16xf32>
        %broadcast_in_dim3A_247 = vector.broadcast %add3A_174 : i32 to vector<16xi32>
        tpu.vector_store_idx %arg14[%broadcast_in_dim3A_247], %cumsum3A_246 masked %eq3A_4 : memref<200xf32, #tpu.memory_space<vmem>>[vector<16xi32>], vector<16xf32>, vector<16xi1>
      }
      %scan3A_88 = arith.constant 200 : i32
      %mul3A_89 = arith.constant 200 : i32
      %mul3A_90 = arith.muli %add3A_61, %mul3A_89 : i32
      %add3A_91 = arith.addi %mul3A_2, %mul3A_90 : i32
      %dma_start3A_92 = tpu.memref_slice %arg6[%add3A_91] : memref<320000xf32, #tpu.memory_space<hbm>> -> memref<200xf32, #tpu.memory_space<hbm>>
      %dma_start3A_93 = tpu.memref_slice %arg6[%add3A_91] : memref<320000xf32, #tpu.memory_space<hbm>> -> memref<200xf32, #tpu.memory_space<hbm>>
      tpu.enqueue_dma source(%arg14 : memref<200xf32, #tpu.memory_space<vmem>>) target(%dma_start3A_93 : memref<200xf32, #tpu.memory_space<hbm>>) target_semaphore(%arg20 : memref<!tpu.dma_semaphore, #tpu.memory_space<semaphore_mem>>)
    }
    %scan3A_17 = arith.constant 25 : i32
    %dma_wait3A = arith.constant 0 : i32
    %dma_wait3A_18 = tpu.memref_slice %arg6[%dma_wait3A] : memref<320000xf32, #tpu.memory_space<hbm>> -> memref<200xf32, #tpu.memory_space<hbm>>
    %dma_wait3A_19 = arith.constant 0 : i32
    %dma_wait3A_20 = tpu.memref_slice %arg6[%dma_wait3A_19] : memref<320000xf32, #tpu.memory_space<hbm>> -> memref<200xf32, #tpu.memory_space<hbm>>
    tpu.wait_dma2 semaphore(%arg19 : memref<!tpu.dma_semaphore, #tpu.memory_space<semaphore_mem>>) src(%arg13 : memref<200xf32, #tpu.memory_space<vmem>>) dst(%dma_wait3A_20 : memref<200xf32, #tpu.memory_space<hbm>>)
    %dma_wait3A_21 = arith.constant 0 : i32
    %dma_wait3A_22 = tpu.memref_slice %arg6[%dma_wait3A_21] : memref<320000xf32, #tpu.memory_space<hbm>> -> memref<200xf32, #tpu.memory_space<hbm>>
    %dma_wait3A_23 = arith.constant 0 : i32
    %dma_wait3A_24 = tpu.memref_slice %arg6[%dma_wait3A_23] : memref<320000xf32, #tpu.memory_space<hbm>> -> memref<200xf32, #tpu.memory_space<hbm>>
    tpu.wait_dma2 semaphore(%arg20 : memref<!tpu.dma_semaphore, #tpu.memory_space<semaphore_mem>>) src(%arg14 : memref<200xf32, #tpu.memory_space<vmem>>) dst(%dma_wait3A_24 : memref<200xf32, #tpu.memory_space<hbm>>)
    return
  }
}

</mosaic_0001>

<sc_bundles>
// kernel: _scores.3.cloned.1.call-start
scs
__scs_entry_jumppad:
0x0: {  	(pc) =	sbr.rel $0x88, $3  }
0x1: {  	(tag) =	ssettag $0x0;
	lr =	simm.s32 $0x1  }
0x2: {  	[smem:$0x3F9D] =	sst lr;
	_ =	strace $0xD0000000  }
0x3: {  	_ = 	snop  }
0x4: {  	_ = 	snop  }
0x5: {  	_ = 	snop  }
0x6: {  	_ = 	snop  }
0x7: {  	_ = 	snop  }
__scs_overlays_trampoline_lowered:
0x8: {  	[smem:$0x3FAC] =	sst s0  }
0x9: {  	[smem:$0x3FAD] =	sst s1  }
0xa: {  	[smem:$0x3FAE] =	sst s2  }
0xb: {  	[smem:$0x3FAF] =	sst s3  }
0xc: {  	[smem:$0x3FB0] =	sst s4  }
0xd: {  	[smem:$0x3FB1] =	sst s5  }
0xe: {  	[smem:$0x3FB2] =	sst s6  }
0xf: {  	[smem:$0x3FB3] =	sst s7  }
0x10: {  	[smem:$0x3FB4] =	sst s8  }
0x11: {  	[smem:$0x3FB5] =	sst s9;
	s0 =	simm.s32 @!p0 $0x0  }
0x12: {  	s1 =	sld [smem:$0x3F9B];
	s0 =	simm.s32 @p0 $0x1  }
0x13: {  	[smem:$0x3FB6] =	sst s0;
	s0 =	simm.s32 @!p1 $0x0  }
0x14: {  	s2 =	sld [smem:$0x3F9A];
	s0 =	simm.s32 @p1 $0x1  }
0x15: {  	[smem:$0x3FB7] =	sst s0;
	s0 =	simm.s32 @!p2 $0x0  }
0x16: {  	s3 =	sld [smem:$0x3FDB];
	s0 =	simm.s32 @p2 $0x1  }
0x17: {  	s4 =	simm.s32 $0x1BF5;
	[smem:$0x3FB9] =	sst s0  }
0x18: {  	s0 =	sld [smem:$0x3F9C];
	_ =	swait.ge [sflag:s4], $0x0  }
0x19: {  	s7 =	sld [smem:$0x3F9D]  }
0x1a: {  	s8 =	sadd.s32 $0xFFFFE003, lr  }
0x1b: {  	s9 =	sadd.s32 $0xFFFFFEF7, lr;
	s5 =	simm.s32 $0xFFFFFFFF;
	p2 =	slt.u32 s8, $0xFFFFF086  }
0x1c: {  	p1 =	slt.u32 s9, $0xF7A;
	s5 =	simm.s32 @!p2 $0x0  }
0x1d: {  	s5 =	simm.s32 @p1 $0x1;
	p0 =	seq.s32 s7, s2  }
0x1e: {  	s7 =	smul.u32 @!p0 $0xF7A, s2;
	p2 =	seq.s32 @!p0 s5, $0x0  }
0x1f: {  	s9 =	smul.u32 $0xF7A, s1;
	s8 =	simm.s32 @!p0 $0x1BF5;
	p2 =	por !p2, p0  }
0x20: {  	[sflag:s8] =	ssyncset.s32 @!p0 $0xFFFFF086;
	s6 =	sadd.s32 @!p0 s3, s7;
	s7 =	simm.s32 @!p0 $0x108  }
0x21: {  	s3 =	sadd.s32 s3, s9;
	s6 =	sadd.s32 @!p0 $0x88, s6;
	s7 =	simm.s32 @p2 $0x1082  }
0x22: {  	[simem:s7], [sflag:s8] =	dma.local @!p0 [hbm:s6], $0xF7A  }
0x23: {  	s9 =	sor.u32 $0xD0000000, s2;
	s6 =	simm.s32 $0x108;
	_ =	swait.ge @!p0 [sflag:s8], $0x0  }
0x24: {  	s3 =	sadd.s32 $0x88, s3;
	s6 =	simm.s32 @!p1 $0x1082;
	[sflag:s4] =	ssyncset.s32 $0xFFFFF086  }
0x25: {  	[simem:s6], [sflag:s4] =	dma.local [hbm:s3], $0xF7A  }
0x26: {  	[smem:$0x3F9D] =	sst s1;
	(tag) =	ssettag s2;
	_ =	strace s9  }
0x27: {  	s1 =	sld [smem:$0x3FAD]  }
0x28: {  	s2 =	sld [smem:$0x3FAE]  }
0x29: {  	s4 =	sld [smem:$0x3FB0]  }
0x2a: {  	p0 =	seq.s32 s5, $0x0;
	s5 =	sld [smem:$0x3FB1]  }
0x2b: {  	s6 =	sld [smem:$0x3FB2]  }
0x2c: {  	s7 =	sld [smem:$0x3FB3]  }
0x2d: {  	s3 =	simm.s32 $0x108;
	s8 =	sld [smem:$0x3FB4]  }
0x2e: {  	s3 =	simm.s32 @!p0 $0x1082;
	s9 =	sld [smem:$0x3FB5]  }
0x2f: {  	lr =	sadd.s32 s0, s3;
	s0 =	sld [smem:$0x3FAC]  }
0x30: {  	s3 =	sld [smem:$0x3FAF]  }
0x31: {  	[smem:$0x3FB8] =	sst s10  }
0x32: {  	s10 =	sld [smem:$0x3FB6];
	_ =	sdelay $0x3  }
0x33: {  	p0 =	seq.s32 s10, $0x1;
	s10 =	sld [smem:$0x3FB8];
	_ =	sdelay $0x3  }
0x34: {  	[smem:$0x3FB8] =	sst s10  }
0x35: {  	s10 =	sld [smem:$0x3FB7];
	_ =	sdelay $0x3  }
0x36: {  	p1 =	seq.s32 s10, $0x1;
	s10 =	sld [smem:$0x3FB8];
	_ =	sdelay $0x3  }
0x37: {  	[smem:$0x3FB8] =	sst s10  }
0x38: {  	s10 =	sld [smem:$0x3FB9]  }
0x39: {  	_ = 	snop;
	(pc) =	sbr.ind lr, $3  }
0x3a: {  	_ = 	snop  }
0x3b: {  	_ = 	snop  }
0x3c: {  	p2 =	seq.s32 s10, $0x1;
	s10 =	sld [smem:$0x3FB8]  }
0x3d: {  	_ =	shalt  }
0x3e: {  	_ =	shalt  }
0x3f: {  	_ =	shalt  }
0x40: {  	_ =	shalt  }
0x41: {  	_ =	shalt  }
0x42: {  	_ =	shalt  }
0x43: {  	_ =	shalt  }
0x44: {  	_ =	shalt  }
0x45: {  	_ =	shalt  }
0x46: {  	_ =	shalt  }
0x47: {  	_ =	shalt  }
0x48: {  	_ =	shalt  }
0x49: {  	_ =	shalt  }
0x4a: {  	_ =	shalt  }
0x4b: {  	_ =	shalt  }
0x4c: {  	_ =	shalt  }
0x4d: {  	_ =	shalt  }
0x4e: {  	_ =	shalt  }
0x4f: {  	_ =	shalt  }
0x50: {  	_ =	shalt  }
0x51: {  	_ =	shalt  }
0x52: {  	_ =	shalt  }
0x53: {  	_ =	shalt  }
0x54: {  	_ =	shalt  }
0x55: {  	_ =	shalt  }
0x56: {  	_ =	shalt  }
0x57: {  	_ =	shalt  }
0x58: {  	_ =	shalt  }
0x59: {  	_ =	shalt  }
0x5a: {  	_ =	shalt  }
0x5b: {  	_ =	shalt  }
0x5c: {  	_ =	shalt  }
0x5d: {  	_ =	shalt  }
0x5e: {  	_ =	shalt  }
0x5f: {  	_ =	shalt  }
0x60: {  	_ =	shalt  }
0x61: {  	_ =	shalt  }
0x62: {  	_ =	shalt  }
0x63: {  	_ =	shalt  }
0x64: {  	_ =	shalt  }
0x65: {  	_ =	shalt  }
0x66: {  	_ =	shalt  }
0x67: {  	_ =	shalt  }
0x68: {  	_ =	shalt  }
0x69: {  	_ =	shalt  }
0x6a: {  	_ =	shalt  }
0x6b: {  	_ =	shalt  }
0x6c: {  	_ =	shalt  }
0x6d: {  	_ =	shalt  }
0x6e: {  	_ =	shalt  }
0x6f: {  	_ =	shalt  }
0x70: {  	_ =	shalt  }
0x71: {  	_ =	shalt  }
0x72: {  	_ =	shalt  }
0x73: {  	_ =	shalt  }
0x74: {  	_ =	shalt  }
0x75: {  	_ =	shalt  }
0x76: {  	_ =	shalt  }
0x77: {  	_ =	shalt  }
0x78: {  	_ =	shalt  }
0x79: {  	_ =	shalt  }
0x7a: {  	_ =	shalt  }
0x7b: {  	_ =	shalt  }
0x7c: {  	_ =	shalt  }
0x7d: {  	_ =	shalt  }
0x7e: {  	_ =	shalt  }
0x7f: {  	_ =	shalt  }
0x80: {  	_ =	shalt  }
0x81: {  	_ =	shalt  }
0x82: {  	_ =	shalt  }
0x83: {  	_ =	shalt  }
0x84: {  	_ =	shalt  }
0x85: {  	_ =	shalt  }
0x86: {  	_ =	shalt  }
0x87: {  	_ =	shalt  }
.Lfunc_end0:
.L_simem_size_0:
called_computation_lowered:
.L_overlay_start_0:
0x88: {  	s2 =	sld [smem:$0x3FD9]  }
0x89: {  	s3 =	sld [smem:$0x3FFE];
	_ =	sdelay $0x1  }
0x8a: {  	s1 =	srdreg.scid  }
0x8b: {  	s0 =	sand.u32 $0x1, s1  }
0x8c: {  	s18 =	sshll.u32 s0, $0xA;
	s2 =	sadd.s32 s3, s2  }
0x8d: {  	s2 =	sadd.s32 s2, s18  }
0x8e: {  	[smem:$0x3FC4] =	sst s2  }
0x8f: {  	_ = 	snop  }
0x90: {  	s2 =	sld [smem:$0x3FC9]  }
0x91: {  	s19 =	sld [smem:$0x3FC8]  }
0x92: {  	s4 =	sld [smem:$0x3FC7]  }
0x93: {  	s5 =	sld [smem:$0x3FC6]  }
0x94: {  	s6 =	sld [smem:$0x3FD0];
	(tm) =	ssettm $0x1  }
0x95: {  	s7 =	sld [smem:$0x3FFB];
	_ =	sdelay $0x3  }
0x96: {  	_ =	strace s7  }
0x97: {  	s7 =	sld [smem:$0x3FFC];
	_ =	sdelay $0x3  }
0x98: {  	_ =	strace s7  }
0x99: {  	s7 =	sld [smem:$0x3FFD];
	_ =	sdelay $0x3  }
0x9a: {  	_ =	strace s7  }
0x9b: {  	_ =	strace $0x8FFFFFFF  }
0x9c: {  	s20 =	sld [smem:$0x3FDB];
	_ =	sdelay $0x1  }
0x9d: {  	s8 =	simm.s32 $_scs_section_size  }
0x9e: {  	s9 =	simm.s32 $_size__tile_overlayer_lowered;
	s10 =	simm.s32 $_tile_overlayer_lowered  }
0x9f: {  	s23 =	simm.s32 $0x1BFF;
	s22 =	sshll.u32 s10, $0x1;
	s7 =	sadd.s32 s8, s20  }
0xa0: {  	s11 =	simm.s32 $0x0;
	s21 =	sshll.u32 s9, $0x1;
	s9 =	sadd.s32 s22, s7  }
0xa1: {  	[timem:s11], [sflag:s23] =	dma.local [hbm:s9], s21  }
0xa2: {  	_ =	swait.ge [sflag:s23], s21  }
0xa3: {  	s8 =	ssub.s32 $0x0, s21;
	[sflag:s23] =	ssyncset.done $0x0  }
0xa4: {  	[sflag:s23] =	ssyncadd.s32 s8;
	_ =	sdelay $0x1  }
0xa5: {  	s24 =	simm.s32 $0x1B8B  }
0xa6: {  	_ =	swait.ge [sflag:s24], $0x1  }
0xa7: {  	[sflag:s24] =	ssyncset.done $0x0  }
0xa8: {  	s25 =	simm.s32 $0x1B8E;
	[sflag:s24] =	ssyncadd.s32 $0xFFFFFFFF  }
0xa9: {  	s26 =	simm.s32 $execute0_lowered;
	[smem:$0x3FD2] =	sst s25  }
0xaa: {  	s8 =	sshll.u32 s26, $0x1;
	_ =	strace $0x80000046;
	[dreg:$0x1] =	wrdreg $0xFFFFFFFF  }
0xab: {  	s28 =	simm.s32 $_size_execute0_lowered;
	s7 =	sadd.s32 s7, s8;
	[dreg:$0x0] =	wrdreg $0x0  }
0xac: {  	s8 =	sshll.u32 s28, $0x1;
	[dreg:$0x2] =	wrdreg s7  }
0xad: {  	[dreg:$0x3] =	wrdreg s8  }
0xae: {  	[dreg:$0x4] =	wrdreg $0xC0  }
0xaf: {  	_ =	task [dreg:s11], $0x5FFFF  }
0xb0: {  	[dreg:$0x1] =	wrdreg $0xFFFFFFFF  }
0xb1: {  	[dreg:$0x0] =	wrdreg $0x60  }
0xb2: {  	[dreg:$0x2] =	wrdreg s2  }
0xb3: {  	[dreg:$0x3] =	wrdreg s19  }
0xb4: {  	[dreg:$0x4] =	wrdreg s4  }
0xb5: {  	[dreg:$0x5] =	wrdreg s5  }
0xb6: {  	[dreg:$0x6] =	wrdreg s6  }
0xb7: {  	[dreg:$0x7] =	wrdreg $0x9  }
0xb8: {  	_ =	task.clear_ibuf [dreg:s11], $0x8FFFF;
	_ =	strace $0x90000046  }
0xb9: {  	s29 =	simm.s32 $0x9;
	_ =	strace $0x80000048  }
0xba: {  	_ =	swait.ge [sflag:s29], $0x1  }
0xbb: {  	[sflag:s29] =	ssyncadd.s32 $0xFFFFFFFF  }
0xbc: {  	_ =	strace $0x90000048  }
0xbd: {  	_ =	sfence  }
0xbe: {  	s30 =	sld [smem:$0x0];
	_ =	sdelay $0x2  }
0xbf: {  	s31 =	sshll.u32 s1, $0xD;
	s1 =	sshrl.u32 s1, $0x2  }
0xc0: {  	s3 =	sand.u32 $0x4000, s31;
	s1 =	sadd.s32 s1, s30  }
0xc1: {  	s0 =	sor.u32 s3, s0;
	s1 =	sshll.u32 s1, $0x11  }
0xc2: {  	s0 =	sor.u32 s1, s0  }
0xc3: {  	s0 =	sadd.s32 $0x8F2B, s0  }
0xc4: {  	[sflag:s0] =	ssyncadd.remote.s32 $0x1  }
0xc5: {  	_ =	sfence.sel $0xFFFF  }
0xc6: {  	[dreg:$0x0] =	wrdreg $0xFFFFFFFF;
	(pc) =	sbr.abs _section_cstart, $3  }
0xc7: {  	[dreg:$0x1] =	wrdreg $0xFFFFFFFF  }
0xc8: {  	_ =	task.clear_ibuf [dreg:s11], $0x2FFFF;
	_ =	strace $0x9FFFFFFF  }
0xc9: {  	(tm) =	ssettm $0x7FFFFFFF  }
tec
execute0_lowered:
.L_overlay_start_1:
0x0: {  	(tag) =	ssettag $0x1  }
0x1: {  	s1 =	rddreg [dreg:$0x0]  }
0x2: {  	s2 =	rddreg [dreg:$0x1];
	s0 =	srdreg.scid  }
0x3: {  	s4 =	stileid.u32;
	s3 =	rddreg [dreg:$0x2]  }
0x4: {  	s8 =	rddreg [dreg:$0x3];
	s6 =	simm.s32 $0x0;
	s10 =	simm.s32 $0x7  }
0x5: {  	s12 =	simm.s32 $0xC8;
	s15 =	simm.s32 $0xB300;
	s16 =	simm.s32 $0x17B00  }
0x6: {  	s17 =	simm.s32 $0x1;
	s18 =	simm.s32 $0x3;
	s19 =	simm.s32 $0x1DF00  }
0x7: {  	s20 =	simm.s32 $0x2;
	s0 =	sand.u32 $0x1, s0;
	s4 =	sshll.u32 s4, $0x1  }
0x8: {  	s21 =	simm.s32 $0x4;
	s22 =	simm.s32 $0x1E000;
	s5 =	sor.u32 s0, s4  }
0x9: {  	s23 =	simm.s32 $0x5;
	s24 =	simm.s32 $0x6;
	s5 =	smul.u32 $0x2710, s5  }
0xa: {  	s25 =	simm.s32 $0x0;
	[smem:$0x7FF] =	sst s6;
	s0 =	ssub.s32 $0x2, s0  }
0xb: {  	s4 =	rddreg [dreg:$0x4];
	s7 =	sshrl.u32 s0, $0x1;
	s9 =	sshrl.u32 s5, $0x3  }
0xc: {  	_ =	strace $0x80000047;
	s0 =	ssub.s32 s0, s7;
	s3 =	sadd.s32 s3, s9  }
0xd: {  	vm0 =	vcmask $0x3F3C;
	s8 =	sadd.s32 s8, s9;
	s9 =	smax.u32 s0, $0x1;
	[dreg:$0x6] =	wrdreg s3  }
.LBB2_1:
0xe: {  	s0 =	rddreg [dreg:$0x6]  }
0xf: {  	[tilespmem:s6], [sflag:$0x7] =	stream.linear.gather [hbm4b:s0+s6], $0x2710, $0x38;
	[tilespmem:$0x1E100] =	vst v63  }
0x10: {  	_ =	swait.ge [sflag:s10], $0x2710  }
0x11: {  	[sflag:s10] =	ssyncset.done $0x0  }
0x12: {  	s30 =	simm.s32 $0x2780;
	[sflag:s10] =	ssyncadd.s32 $0xFFFFD8F0  }
0x13: {  	[tilespmem:s30], [sflag:$0x7] =	stream.linear.gather [hbm4b:s8+s6], $0x2710, $0x38;
	[tilespmem:$0x1E100] =	vst v63  }
0x14: {  	_ =	swait.ge [sflag:s10], $0x2710  }
0x15: {  	[sflag:s10] =	ssyncset.done $0x0  }
0x16: {  	s3 =	simm.s32 $0x4F00;
	[sflag:s10] =	ssyncadd.s32 $0xFFFFD8F0  }
0x17: {  	[tilespmem:s3], [sflag:$0x1] =	stream.indirect.gather [hbm4b:s1+s12], $0x80, s6, s12, $0xb8;
	[tilespmem:$0x1E100] =	vst v63  }
0x18: {  	s31 =	simm.s32 $0x11700;
	s26 =	simm.s32 $0x0  }
0x19: {  	[tilespmem:s31], [sflag:$0x3] =	stream.indirect.gather [hbm4b:s2+s12], $0x80, s30, s12, $0xb8;
	[tilespmem:$0x1E100] =	vst v63  }
.LBB2_2:
0x1a: {  	s29 =	smul.u32 $0x190, s26;
	_ =	sdelay $0x1  }
0x1b: {  	s28 =	sadd.s32 $0xC8, s29  }
0x1c: {  	[tilespmem:s15], [sflag:$0x2] =	stream.indirect.gather [hbm4b:s1+s12], $0x80, s28, s12, $0xb8;
	[tilespmem:$0x1E100] =	vst v63  }
0x1d: {  	s0 =	sadd.s32 $0x2848, s29  }
0x1e: {  	[tilespmem:s16], [sflag:$0x4] =	stream.indirect.gather [hbm4b:s2+s12], $0x80, s0, s12, $0xb8;
	[tilespmem:$0x1E100] =	vst v63  }
0x1f: {  	_ =	swait.ge [sflag:s17], $0x6400  }
0x20: {  	[sflag:s17] =	ssyncset.done $0x0  }
0x21: {  	[sflag:s17] =	ssyncadd.s32 $0xFFFF9C00  }
0x22: {  	_ =	swait.ge [sflag:s18], $0x6400  }
0x23: {  	p0 =	seq.s32 s26, $0x0;
	[sflag:s18] =	ssyncset.done $0x0  }
0x24: {  	s0 =	simm.s32 @!p0 $0x5;
	[sflag:s18] =	ssyncadd.s32 $0xFFFF9C00  }
0x25: {  	_ =	swait.ge @!p0 [sflag:s0], $0xC8  }
0x26: {  	[sflag:s0] =	ssyncset.done @!p0 $0x0  }
0x27: {  	s31 =	simm.s32 $0x4F80;
	[sflag:s0] =	ssyncadd.s32 @!p0 $0xFFFFFF38  }
0x28: {  	v0 =	vld [tilespmem:s31+$0xFFFFFFA0]  }
0x29: {  	s3 =	simm.s32 $0x11780;
	v1 =	vld [tilespmem:s31+$0xFFFFFF80]  }
0x2a: {  	v2 =	vld [tilespmem:s3+$0xFFFFFFC0]  }
0x2b: {  	v3 =	vld [tilespmem:s31+$0xFFFFFFC0]  }
0x2c: {  	v4 =	vld [tilespmem:s31+$0xFFFFFFD0]  }
0x2d: {  	v5 =	vld [tilespmem:s3+$0xFFFFFF90]  }
0x2e: {  	v6 =	vld [tilespmem:s3+$0xFFFFFFD0]  }
0x2f: {  	v7 =	vld [tilespmem:s3+$0xFFFFFF80]  }
0x30: {  	v8 =	vld [tilespmem:s3+$0xFFFFFFA0]  }
0x31: {  	v9 =	vld [tilespmem:s31+$0xFFFFFF90]  }
0x32: {  	v10 =	vld [tilespmem:s31+$0xFFFFFFB0]  }
0x33: {  	v11 =	vld [tilespmem:s3+$0xFFFFFFB0]  }
0x34: {  	v12 =	vld [tilespmem:s31+$0xFFFFFFF0]  }
0x35: {  	v57 =	vld [tilespmem:s3+$0xFFFFFFF0]  }
0x36: {  	v58 =	vld [tilespmem:s3+$0xFFFFFFE0];
	v1 =	vmul.f32 v7, v1;
	v5 =	vmul.f32 v5, v9  }
0x37: {  	v59 =	vld [tilespmem:s31+$0xFFFFFFE0];
	v0 =	vmul.f32 v8, v0  }
0x38: {  	v10 =	vmul.f32 v11, v10;
	v1 =	vadd.f32 $0.0e+00, v1;
	v5 =	vadd.f32 $0.0e+00, v5  }
0x39: {  	v2 =	vmul.f32 v2, v3  }
0x3a: {  	v60 =	vmul.f32 v6, v4;
	v0 =	vadd.f32 v0, v1;
	v61 =	vadd.f32 v10, v5  }
0x3b: {  	v62 =	vmul.f32 v57, v12  }
0x3c: {  	v63 =	vmul.f32 v58, v59;
	v0 =	vadd.f32 v2, v0;
	v1 =	vadd.f32 v60, v61;
	_ =	sdelay $0x1  }
0x3d: {  	v0 =	vadd.f32 v63, v0;
	v1 =	vadd.f32 v62, v1;
	_ =	sdelay $0x1  }
0x3e: {  	v0 =	vadd.f32 v1, v0  }
0x3f: {  	s30 =	simm.s32 $0x0  }
0x40: {  	s14 =	simm.s32 $0x2;
	s13 =	simm.s32 $0x11780;
	s0 =	simm.s32 $0x4F80;
	(xrf2) =	vadd.scan.msk.f32 $0xffff, v0  }
.LBB2_3:
0x41: {  	_ =	sdelay $0x1  }
0x42: {  	p1 =	slt.u32 s14, $0xC6;
	v0 =	vmov s30;
	s3 =	sadd.s32 $0x100, s3;
	s31 =	sadd.s32 $0x100, s31  }
0x43: {  	s11 =	smov.u32 s14;
	s14 =	sadd.s32 $0x2, s14;
	v0 =	vand.u32 $0xFFFFFFFE, v0  }
0x44: {  	v0 =	vbroadcast v0, $0x0;
	_ =	sdelay $0x4  }
0x45: {  	v1, _, _ =	vpop (xrf2)  }
0x46: {  	[tilespmem:v0+s19+$0x0] =	vst.idx.msk vm0, v1  }
0x47: {  	v0 =	vld [tilespmem:s0+$0x0]  }
0x48: {  	v1 =	vld [tilespmem:s13+$0x0]  }
0x49: {  	v2 =	vld [tilespmem:s0+$0x20]  }
0x4a: {  	v3 =	vld [tilespmem:s13+$0x20]  }
0x4b: {  	v4 =	vld [tilespmem:s13+$0x40]  }
0x4c: {  	v5 =	vld [tilespmem:s0+$0x40]  }
0x4d: {  	v0 =	vmul.f32 v1, v0;
	v1 =	vld [tilespmem:s13+$0x70]  }
0x4e: {  	v6 =	vld [tilespmem:s0+$0x70]  }
0x4f: {  	v0 =	vadd.f32 $0.0e+00, v0;
	v7 =	vld [tilespmem:s13+$0x10];
	v2 =	vmul.f32 v3, v2  }
0x50: {  	v3 =	vld [tilespmem:s0+$0x10]  }
0x51: {  	v0 =	vadd.f32 v2, v0;
	v2 =	vld [tilespmem:s13+$0x30];
	v4 =	vmul.f32 v4, v5  }
0x52: {  	v5 =	vld [tilespmem:s0+$0x30]  }
0x53: {  	v0 =	vadd.f32 v4, v0;
	v4 =	vld [tilespmem:s13+$0x50]  }
0x54: {  	v8 =	vld [tilespmem:s0+$0x50]  }
0x55: {  	v3 =	vmul.f32 v7, v3;
	v7 =	vld [tilespmem:s13+$0x60];
	s13 =	smov.u32 s3  }
0x56: {  	v9 =	vld [tilespmem:s0+$0x60];
	s0 =	smov.u32 s31  }
0x57: {  	v3 =	vadd.f32 $0.0e+00, v3;
	v2 =	vmul.f32 v2, v5;
	_ =	sdelay $0x1  }
0x58: {  	v2 =	vadd.f32 v2, v3;
	v3 =	vmul.f32 v4, v8;
	_ =	sdelay $0x1  }
0x59: {  	v1 =	vmul.f32 v1, v6;
	v2 =	vadd.f32 v3, v2;
	v3 =	vmul.f32 v7, v9;
	_ =	sdelay $0x1  }
0x5a: {  	v0 =	vadd.f32 v3, v0;
	v1 =	vadd.f32 v1, v2;
	_ =	sdelay $0x1  }
0x5b: {  	v0 =	vadd.f32 v1, v0;
	_ =	sdelay $0x1  }
0x5c: {  	(xrf2) =	vadd.scan.msk.f32 $0xffff, v0;
	_ =	sdelay $0x4  }
0x5d: {  	s7 =	sadd.s32 $0x1, s30;
	s30 =	smov.u32 s11  }
0x5e: {  	v0 =	vmov s7;
	_ =	sdelay $0x3  }
0x5f: {  	v1, _, _ =	vpop (xrf2)  }
0x60: {  	[tilespmem:v0+s19+$0x0] =	vst.idx.msk vm0, v1  }
0x61: {  	v0 =	vld [tilespmem:s31+$0xFFFFFFA0]  }
0x62: {  	v1 =	vld [tilespmem:s31+$0xFFFFFF80]  }
0x63: {  	v2 =	vld [tilespmem:s3+$0xFFFFFFC0]  }
0x64: {  	v3 =	vld [tilespmem:s31+$0xFFFFFFC0]  }
0x65: {  	v4 =	vld [tilespmem:s31+$0xFFFFFFD0]  }
0x66: {  	v5 =	vld [tilespmem:s3+$0xFFFFFF90]  }
0x67: {  	v6 =	vld [tilespmem:s3+$0xFFFFFFD0]  }
0x68: {  	v7 =	vld [tilespmem:s3+$0xFFFFFF80]  }
0x69: {  	v8 =	vld [tilespmem:s3+$0xFFFFFFA0]  }
0x6a: {  	v9 =	vld [tilespmem:s31+$0xFFFFFF90]  }
0x6b: {  	v10 =	vld [tilespmem:s31+$0xFFFFFFB0]  }
0x6c: {  	v11 =	vld [tilespmem:s3+$0xFFFFFFB0]  }
0x6d: {  	v2 =	vmul.f32 v2, v3;
	v1 =	vmul.f32 v7, v1;
	v3 =	vld [tilespmem:s31+$0xFFFFFFF0]  }
0x6e: {  	v4 =	vmul.f32 v6, v4;
	v0 =	vmul.f32 v8, v0;
	v6 =	vld [tilespmem:s3+$0xFFFFFFF0]  }
0x6f: {  	v1 =	vadd.f32 $0.0e+00, v1;
	v5 =	vmul.f32 v5, v9;
	v7 =	vld [tilespmem:s3+$0xFFFFFFE0]  }
0x70: {  	v8 =	vld [tilespmem:s31+$0xFFFFFFE0]  }
0x71: {  	v5 =	vadd.f32 $0.0e+00, v5;
	v0 =	vadd.f32 v0, v1;
	v1 =	vmul.f32 v11, v10;
	_ =	sdelay $0x1  }
0x72: {  	v1 =	vadd.f32 v1, v5;
	v0 =	vadd.f32 v2, v0;
	v2 =	vmul.f32 v6, v3;
	_ =	sdelay $0x1  }
0x73: {  	v1 =	vadd.f32 v4, v1;
	v3 =	vmul.f32 v7, v8;
	_ =	sdelay $0x1  }
.Ltmp0:
0x74: {  	v0 =	vadd.f32 v3, v0;
	v1 =	vadd.f32 v2, v1;
	(pc) =	sbr.rel @p1 .LBB2_3-.Ltmp0, $3  }
0x75: {  	_ = 	snop  }
0x76: {  	v0 =	vadd.f32 v1, v0;
	_ =	sdelay $0x1  }
0x77: {  	(xrf2) =	vadd.scan.msk.f32 $0xffff, v0  }
0x78: {  	_ =	sdelay $0x1  }
0x79: {  	v0 =	vmov s30  }
0x7a: {  	v0 =	vand.u32 $0xFFFFFFFE, v0  }
0x7b: {  	v0 =	vbroadcast v0, $0x0;
	_ =	sdelay $0x4  }
0x7c: {  	v1, _, _ =	vpop (xrf2)  }
0x7d: {  	[tilespmem:v0+s19+$0x0] =	vst.idx.msk vm0, v1  }
0x7e: {  	v0 =	vld [tilespmem:s0+$0x0]  }
0x7f: {  	v1 =	vld [tilespmem:s13+$0x0]  }
0x80: {  	v2 =	vld [tilespmem:s0+$0x20]  }
0x81: {  	v3 =	vld [tilespmem:s13+$0x20]  }
0x82: {  	v4 =	vld [tilespmem:s13+$0x40]  }
0x83: {  	v5 =	vld [tilespmem:s0+$0x40]  }
0x84: {  	v6 =	vld [tilespmem:s13+$0x70]  }
0x85: {  	v8 =	vld [tilespmem:s13+$0x10]  }
0x86: {  	v9 =	vld [tilespmem:s0+$0x10]  }
0x87: {  	v10 =	vld [tilespmem:s13+$0x30]  }
0x88: {  	v11 =	vld [tilespmem:s0+$0x30]  }
0x89: {  	v12 =	vld [tilespmem:s13+$0x50]  }
0x8a: {  	v35 =	vld [tilespmem:s0+$0x50]  }
0x8b: {  	v36 =	vld [tilespmem:s13+$0x60]  }
0x8c: {  	v37 =	vld [tilespmem:s0+$0x60];
	v0 =	vmul.f32 v1, v0;
	v8 =	vmul.f32 v8, v9  }
0x8d: {  	v7 =	vld [tilespmem:s0+$0x70];
	v2 =	vmul.f32 v3, v2  }
0x8e: {  	v10 =	vmul.f32 v10, v11;
	v0 =	vadd.f32 $0.0e+00, v0;
	v8 =	vadd.f32 $0.0e+00, v8  }
0x8f: {  	v38 =	vmul.f32 v4, v5  }
0x90: {  	v1 =	vmul.f32 v12, v35;
	v0 =	vadd.f32 v2, v0;
	v39 =	vadd.f32 v10, v8  }
0x91: {  	v40 =	vmul.f32 v36, v37  }
0x92: {  	v41 =	vmul.f32 v6, v7;
	v0 =	vadd.f32 v38, v0;
	v1 =	vadd.f32 v1, v39;
	_ =	sdelay $0x1  }
0x93: {  	v0 =	vadd.f32 v40, v0;
	v1 =	vadd.f32 v41, v1;
	_ =	sdelay $0x1  }
0x94: {  	v0 =	vadd.f32 v1, v0;
	_ =	sdelay $0x1  }
0x95: {  	(xrf2) =	vadd.scan.msk.f32 $0xffff, v0;
	_ =	sdelay $0x4  }
0x96: {  	s14 =	sadd.s32 $0x1, s30  }
0x97: {  	v42 =	vmov s14;
	_ =	sdelay $0x2  }
0x98: {  	s31 =	sadd.s32 s5, s29  }
0x99: {  	s0 =	sshrl.u32 s31, $0x3;
	v43, _, _ =	vpop (xrf2)  }
0x9a: {  	p1 =	seq.s32 s26, $0x18;
	s0 =	sadd.s32 s4, s0;
	[tilespmem:v42+s19+$0x0] =	vst.idx.msk vm0, v43  }
0x9b: {  	[hbm4b:s0+s6] =	stream.linear.scatter [tilespmem:s19], [sflag:$0x5], $0xC8, $0x38;
	[tilespmem:$0x1E100] =	vst v63  }
0x9c: {  	s3 =	simm.s32 @!p1 $0xC8;
	s7 =	simm.s32 @!p1 $0x4F00;
	s0 =	sadd.s32 @!p1 $0x190, s29  }
0x9d: {  	[tilespmem:s7], [sflag:$0x1] =	stream.indirect.gather @!p1 [hbm4b:s1+s3], $0x80, s0, s3, $0xb8;
	[tilespmem:$0x1E100] =	vst v63  }
0x9e: {  	s0 =	sadd.s32 @!p1 $0x2910, s29;
	s7 =	simm.s32 @!p1 $0x11700  }
0x9f: {  	[tilespmem:s7], [sflag:$0x3] =	stream.indirect.gather @!p1 [hbm4b:s2+s3], $0x80, s0, s3, $0xb8;
	[tilespmem:$0x1E100] =	vst v63  }
0xa0: {  	_ =	swait.ge [sflag:s20], $0x6400  }
0xa1: {  	[sflag:s20] =	ssyncset.done $0x0  }
0xa2: {  	[sflag:s20] =	ssyncadd.s32 $0xFFFF9C00  }
0xa3: {  	_ =	swait.ge [sflag:s21], $0x6400  }
0xa4: {  	[sflag:s21] =	ssyncset.done $0x0  }
0xa5: {  	s0 =	simm.s32 @!p0 $0x6;
	[sflag:s21] =	ssyncadd.s32 $0xFFFF9C00  }
0xa6: {  	_ =	swait.ge @!p0 [sflag:s0], $0xC8  }
0xa7: {  	[sflag:s0] =	ssyncset.done @!p0 $0x0  }
0xa8: {  	s30 =	simm.s32 $0xB380;
	[sflag:s0] =	ssyncadd.s32 @!p0 $0xFFFFFF38  }
0xa9: {  	v44 =	vld [tilespmem:s30+$0xFFFFFFA0]  }
0xaa: {  	s3 =	simm.s32 $0x17B80;
	v45 =	vld [tilespmem:s30+$0xFFFFFF80]  }
0xab: {  	v46 =	vld [tilespmem:s3+$0xFFFFFFC0]  }
0xac: {  	v47 =	vld [tilespmem:s30+$0xFFFFFFC0]  }
0xad: {  	v48 =	vld [tilespmem:s30+$0xFFFFFFD0]  }
0xae: {  	v49 =	vld [tilespmem:s3+$0xFFFFFF90]  }
0xaf: {  	v50 =	vld [tilespmem:s3+$0xFFFFFFD0]  }
0xb0: {  	v51 =	vld [tilespmem:s3+$0xFFFFFF80]  }
0xb1: {  	v52 =	vld [tilespmem:s3+$0xFFFFFFA0]  }
0xb2: {  	v53 =	vld [tilespmem:s30+$0xFFFFFF90]  }
0xb3: {  	v54 =	vld [tilespmem:s30+$0xFFFFFFB0]  }
0xb4: {  	v55 =	vld [tilespmem:s3+$0xFFFFFFB0]  }
0xb5: {  	v56 =	vld [tilespmem:s30+$0xFFFFFFF0]  }
0xb6: {  	v57 =	vld [tilespmem:s3+$0xFFFFFFF0]  }
0xb7: {  	v58 =	vld [tilespmem:s3+$0xFFFFFFE0];
	v1 =	vmul.f32 v51, v45;
	v5 =	vmul.f32 v49, v53  }
0xb8: {  	v59 =	vld [tilespmem:s30+$0xFFFFFFE0];
	v0 =	vmul.f32 v52, v44  }
0xb9: {  	v10 =	vmul.f32 v55, v54;
	v1 =	vadd.f32 $0.0e+00, v1;
	v5 =	vadd.f32 $0.0e+00, v5  }
0xba: {  	v2 =	vmul.f32 v46, v47  }
0xbb: {  	v60 =	vmul.f32 v50, v48;
	v0 =	vadd.f32 v0, v1;
	v61 =	vadd.f32 v10, v5  }
0xbc: {  	v62 =	vmul.f32 v57, v56  }
0xbd: {  	v63 =	vmul.f32 v58, v59;
	v0 =	vadd.f32 v2, v0;
	v1 =	vadd.f32 v60, v61;
	_ =	sdelay $0x1  }
0xbe: {  	v0 =	vadd.f32 v63, v0;
	v1 =	vadd.f32 v62, v1;
	_ =	sdelay $0x1  }
0xbf: {  	v0 =	vadd.f32 v1, v0  }
0xc0: {  	s14 =	simm.s32 $0x2  }
0xc1: {  	s13 =	simm.s32 $0x17B80;
	s29 =	simm.s32 $0x0;
	s0 =	simm.s32 $0xB380;
	(xrf2) =	vadd.scan.msk.f32 $0xffff, v0  }
.LBB2_5:
0xc2: {  	_ =	sdelay $0x1  }
0xc3: {  	p0 =	slt.u32 s14, $0xC6;
	v0 =	vmov s29;
	s3 =	sadd.s32 $0x100, s3;
	s30 =	sadd.s32 $0x100, s30  }
0xc4: {  	s11 =	smov.u32 s14;
	s14 =	sadd.s32 $0x2, s14;
	v0 =	vand.u32 $0xFFFFFFFE, v0  }
0xc5: {  	v0 =	vbroadcast v0, $0x0;
	_ =	sdelay $0x4  }
0xc6: {  	v1, _, _ =	vpop (xrf2)  }
0xc7: {  	[tilespmem:v0+s22+$0x0] =	vst.idx.msk vm0, v1  }
0xc8: {  	v0 =	vld [tilespmem:s0+$0x0]  }
0xc9: {  	v1 =	vld [tilespmem:s13+$0x0]  }
0xca: {  	v2 =	vld [tilespmem:s0+$0x20]  }
0xcb: {  	v3 =	vld [tilespmem:s13+$0x20]  }
0xcc: {  	v4 =	vld [tilespmem:s13+$0x40]  }
0xcd: {  	v5 =	vld [tilespmem:s0+$0x40]  }
0xce: {  	v0 =	vmul.f32 v1, v0;
	v1 =	vld [tilespmem:s13+$0x70]  }
0xcf: {  	v6 =	vld [tilespmem:s0+$0x70]  }
0xd0: {  	v0 =	vadd.f32 $0.0e+00, v0;
	v7 =	vld [tilespmem:s13+$0x10];
	v2 =	vmul.f32 v3, v2  }
0xd1: {  	v3 =	vld [tilespmem:s0+$0x10]  }
0xd2: {  	v0 =	vadd.f32 v2, v0;
	v2 =	vld [tilespmem:s13+$0x30];
	v4 =	vmul.f32 v4, v5  }
0xd3: {  	v5 =	vld [tilespmem:s0+$0x30]  }
0xd4: {  	v0 =	vadd.f32 v4, v0;
	v4 =	vld [tilespmem:s13+$0x50]  }
0xd5: {  	v8 =	vld [tilespmem:s0+$0x50]  }
0xd6: {  	v3 =	vmul.f32 v7, v3;
	v7 =	vld [tilespmem:s13+$0x60];
	s13 =	smov.u32 s3  }
0xd7: {  	v9 =	vld [tilespmem:s0+$0x60];
	s0 =	smov.u32 s30  }
0xd8: {  	v3 =	vadd.f32 $0.0e+00, v3;
	v2 =	vmul.f32 v2, v5;
	_ =	sdelay $0x1  }
0xd9: {  	v2 =	vadd.f32 v2, v3;
	v3 =	vmul.f32 v4, v8;
	_ =	sdelay $0x1  }
0xda: {  	v1 =	vmul.f32 v1, v6;
	v2 =	vadd.f32 v3, v2;
	v3 =	vmul.f32 v7, v9;
	_ =	sdelay $0x1  }
0xdb: {  	v0 =	vadd.f32 v3, v0;
	v1 =	vadd.f32 v1, v2;
	_ =	sdelay $0x1  }
0xdc: {  	v0 =	vadd.f32 v1, v0;
	_ =	sdelay $0x1  }
0xdd: {  	(xrf2) =	vadd.scan.msk.f32 $0xffff, v0;
	_ =	sdelay $0x4  }
0xde: {  	s7 =	sadd.s32 $0x1, s29;
	s29 =	smov.u32 s11  }
0xdf: {  	v0 =	vmov s7;
	_ =	sdelay $0x3  }
0xe0: {  	v1, _, _ =	vpop (xrf2)  }
0xe1: {  	[tilespmem:v0+s22+$0x0] =	vst.idx.msk vm0, v1  }
0xe2: {  	v0 =	vld [tilespmem:s30+$0xFFFFFFA0]  }
0xe3: {  	v1 =	vld [tilespmem:s30+$0xFFFFFF80]  }
0xe4: {  	v2 =	vld [tilespmem:s3+$0xFFFFFFC0]  }
0xe5: {  	v3 =	vld [tilespmem:s30+$0xFFFFFFC0]  }
0xe6: {  	v4 =	vld [tilespmem:s30+$0xFFFFFFD0]  }
0xe7: {  	v5 =	vld [tilespmem:s3+$0xFFFFFF90]  }
0xe8: {  	v6 =	vld [tilespmem:s3+$0xFFFFFFD0]  }
0xe9: {  	v7 =	vld [tilespmem:s3+$0xFFFFFF80]  }
0xea: {  	v8 =	vld [tilespmem:s3+$0xFFFFFFA0]  }
0xeb: {  	v9 =	vld [tilespmem:s30+$0xFFFFFF90]  }
0xec: {  	v10 =	vld [tilespmem:s30+$0xFFFFFFB0]  }
0xed: {  	v11 =	vld [tilespmem:s3+$0xFFFFFFB0]  }
0xee: {  	v2 =	vmul.f32 v2, v3;
	v1 =	vmul.f32 v7, v1;
	v3 =	vld [tilespmem:s30+$0xFFFFFFF0]  }
0xef: {  	v4 =	vmul.f32 v6, v4;
	v0 =	vmul.f32 v8, v0;
	v6 =	vld [tilespmem:s3+$0xFFFFFFF0]  }
0xf0: {  	v1 =	vadd.f32 $0.0e+00, v1;
	v5 =	vmul.f32 v5, v9;
	v7 =	vld [tilespmem:s3+$0xFFFFFFE0]  }
0xf1: {  	v8 =	vld [tilespmem:s30+$0xFFFFFFE0]  }
0xf2: {  	v5 =	vadd.f32 $0.0e+00, v5;
	v0 =	vadd.f32 v0, v1;
	v1 =	vmul.f32 v11, v10;
	_ =	sdelay $0x1  }
0xf3: {  	v1 =	vadd.f32 v1, v5;
	v0 =	vadd.f32 v2, v0;
	v2 =	vmul.f32 v6, v3;
	_ =	sdelay $0x1  }
0xf4: {  	v1 =	vadd.f32 v4, v1;
	v3 =	vmul.f32 v7, v8;
	_ =	sdelay $0x1  }
.Ltmp1:
0xf5: {  	v0 =	vadd.f32 v3, v0;
	v1 =	vadd.f32 v2, v1;
	(pc) =	sbr.rel @p0 .LBB2_5-.Ltmp1, $3  }
0xf6: {  	_ = 	snop  }
0xf7: {  	v0 =	vadd.f32 v1, v0;
	_ =	sdelay $0x1  }
0xf8: {  	(xrf2) =	vadd.scan.msk.f32 $0xffff, v0  }
0xf9: {  	_ =	sdelay $0x1  }
0xfa: {  	v0 =	vmov s29  }
0xfb: {  	v0 =	vand.u32 $0xFFFFFFFE, v0  }
0xfc: {  	v0 =	vbroadcast v0, $0x0;
	_ =	sdelay $0x4  }
0xfd: {  	v1, _, _ =	vpop (xrf2)  }
0xfe: {  	[tilespmem:v0+s22+$0x0] =	vst.idx.msk vm0, v1  }
0xff: {  	v0 =	vld [tilespmem:s0+$0x0]  }
0x100: {  	v1 =	vld [tilespmem:s13+$0x0]  }
0x101: {  	v2 =	vld [tilespmem:s0+$0x20]  }
0x102: {  	v3 =	vld [tilespmem:s13+$0x20]  }
0x103: {  	v4 =	vld [tilespmem:s13+$0x40]  }
0x104: {  	v5 =	vld [tilespmem:s0+$0x40]  }
0x105: {  	v6 =	vld [tilespmem:s13+$0x70]  }
0x106: {  	v8 =	vld [tilespmem:s13+$0x10]  }
0x107: {  	v9 =	vld [tilespmem:s0+$0x10]  }
0x108: {  	v10 =	vld [tilespmem:s13+$0x30]  }
0x109: {  	v11 =	vld [tilespmem:s0+$0x30]  }
0x10a: {  	v12 =	vld [tilespmem:s13+$0x50]  }
0x10b: {  	v55 =	vld [tilespmem:s0+$0x50]  }
0x10c: {  	v56 =	vld [tilespmem:s13+$0x60]  }
0x10d: {  	v57 =	vld [tilespmem:s0+$0x60];
	v0 =	vmul.f32 v1, v0;
	v8 =	vmul.f32 v8, v9  }
0x10e: {  	v7 =	vld [tilespmem:s0+$0x70];
	v2 =	vmul.f32 v3, v2  }
0x10f: {  	v10 =	vmul.f32 v10, v11;
	v0 =	vadd.f32 $0.0e+00, v0;
	v8 =	vadd.f32 $0.0e+00, v8  }
0x110: {  	v58 =	vmul.f32 v4, v5  }
0x111: {  	v1 =	vmul.f32 v12, v55;
	v0 =	vadd.f32 v2, v0;
	v59 =	vadd.f32 v10, v8  }
0x112: {  	v60 =	vmul.f32 v56, v57  }
0x113: {  	v61 =	vmul.f32 v6, v7;
	v0 =	vadd.f32 v58, v0;
	v1 =	vadd.f32 v1, v59;
	_ =	sdelay $0x1  }
0x114: {  	v0 =	vadd.f32 v60, v0;
	v1 =	vadd.f32 v61, v1;
	_ =	sdelay $0x1  }
0x115: {  	v0 =	vadd.f32 v1, v0;
	_ =	sdelay $0x1  }
0x116: {  	(xrf2) =	vadd.scan.msk.f32 $0xffff, v0;
	_ =	sdelay $0x4  }
0x117: {  	s30 =	sadd.s32 $0x1, s29  }
0x118: {  	s26 =	sadd.s32 $0x1, s26;
	v62 =	vmov s30  }
0x119: {  	p0 =	sne.s32 s26, $0x19  }
.Ltmp2:
0x11a: {  	_ = 	snop;
	(pc) =	sbr.rel @p0 .LBB2_2-.Ltmp2, $4  }
0x11b: {  	s31 =	sadd.s32 s5, s28  }
0x11c: {  	s0 =	sshrl.u32 s31, $0x3;
	v63, _, _ =	vpop (xrf2)  }
0x11d: {  	s0 =	sadd.s32 s4, s0;
	[tilespmem:v62+s22+$0x0] =	vst.idx.msk vm0, v63  }
0x11e: {  	[hbm4b:s0+s6] =	stream.linear.scatter [tilespmem:s22], [sflag:$0x6], $0xC8, $0x38;
	[tilespmem:$0x1E100] =	vst v63  }
0x11f: {  	s25 =	sadd.s32 $0x1, s25  }
0x120: {  	_ =	swait.ge [sflag:s23], $0xC8;
	p0 =	sne.s32 s25, s9  }
.Ltmp3:
0x121: {  	[sflag:s23] =	ssyncset.done $0x0;
	(pc) =	sbr.rel @p0 .LBB2_1-.Ltmp3, $4  }
0x122: {  	[sflag:s23] =	ssyncadd.s32 $0xFFFFFF38  }
0x123: {  	_ =	swait.ge [sflag:s24], $0xC8  }
0x124: {  	[sflag:s24] =	ssyncset.done $0x0  }
0x125: {  	[sflag:s24] =	ssyncadd.s32 $0xFFFFFF38  }
0x126: {  	_ =	sfence.sel $0x180000  }
0x127: {  	[bflag:$0x0] =	sbarrier.arrive $0xFFFF  }
0x128: {  	_ =	strace $0x90000047  }
0x129: {  	s0 =	stileid.u32;
	[bflag:$0x2] =	sbarrier.arrive $0xFFFF  }
0x12a: {  	p0 =	sne.s32 s0, $0x0;
	s0 =	rddreg [dreg:$0x5]  }
0x12b: {  	s0 =	sadd.s32 @!p0 $0x100000, s0  }
0x12c: {  	[sflag:s0] =	ssyncadd.tile.s32 @!p0 $0x1;
	_ =	shalt  }
.Lfunc_end2:
_tile_overlayer_lowered:
.L_overlay_start_2:
0x12d: {  	(tag) =	ssettag $0x2  }
0x12e: {  	s0 =	rddreg [dreg:$0x0];
	s2 =	stileid.u32  }
0x12f: {  	s1 =	rddreg [dreg:$0x1];
	p0 =	sne.s32 s2, $0x0  }
0x130: {  	s3 =	rddreg [dreg:$0x2];
	[bflag:$0x3] =	sbarrier.arrive $0xFFFF;
	s2 =	simm.s32 @!p0 $0x1C07  }
0x131: {  	[timem:s3], [sflag:s2] =	dma.local @!p0 [hbm:s0], s1  }
0x132: {  	s0 =	simm.s32 @!p0 $0x7  }
0x133: {  	_ =	swait.ge @!p0 [sflag:s0], s1  }
0x134: {  	s1 =	ssub.s32 @!p0 $0x0, s1;
	[sflag:s0] =	ssyncset.done @!p0 $0x0  }
0x135: {  	[sflag:s0] =	ssyncadd.s32 @!p0 s1  }
0x136: {  	[bflag:$0x3] =	sbarrier.arrive $0xFFFF  }
0x137: {  	_ =	shalt  }

</sc_bundles>
